<compile_context>
chip_gen: v7x
topology: tpu7x:2x2x1
jax: 0.10.2.dev20260603
libtpu: 0.0.44.dev20260713+nightly
codegen_flags: <defaults>
</compile_context>

<pallas_src>
import functools

import jax
import jax.numpy as jnp
from jax import lax
from jax.experimental import pallas as pl
from jax.experimental.pallas import tpu as pltpu
from jax.experimental.pallas import tpu_sc as plsc

NCELLS = 200000
NNODES = 100000
FEAT = 128
NW = 32
CHUNK = 40
NCHUNKS = NCELLS // CHUNK
ITERS = -(-NCHUNKS // NW)
ROW = 393
NGROUP = -(-CHUNK // 16)
GROWS = 128
GSPLIT = 4
TAIL = ROW - 3 * FEAT


def _sc_body(u_hbm, t_hbm, ccvp_hbm, tri_hbm, out_hbm,
             idx_v, g_v, ccvp_v, rt_v, rt3_v,
             t_v, isem, gsem, wsem):
    wid = lax.axis_index("c") * 16 + lax.axis_index("s")
    lane = jax.lax.iota(jnp.int32, 16)

    pltpu.sync_copy(t_hbm, t_v)
    tvec = t_v[...]
    for g in range(NGROUP):
        k = lane + 16 * g
        kc = jnp.minimum(k, CHUNK - 1)
        plsc.store_scatter(rt_v, [jnp.zeros((16,), jnp.int32), kc,
                                  jnp.zeros((16,), jnp.int32)], tvec,
                           mask=k < CHUNK)

    def load_meta(chunk, b):
        pltpu.async_copy(tri_hbm.at[chunk], idx_v.at[b], isem)
        pltpu.async_copy(ccvp_hbm.at[chunk], ccvp_v.at[b], isem)

    def drain_meta(b):
        pltpu.make_async_copy(tri_hbm.at[0], idx_v.at[b], isem).wait()
        pltpu.make_async_copy(ccvp_hbm.at[0], ccvp_v.at[b], isem).wait()

    def start_gather(b):
        for j in range(GSPLIT):
            pltpu.async_copy(u_hbm.at[idx_v.at[b, j]],
                             g_v.at[b, pl.ds(j * (GROWS // GSPLIT),
                                             GROWS // GSPLIT)], gsem)

    def drain_gather(b):
        for j in range(GSPLIT):
            pltpu.make_async_copy(u_hbm.at[pl.ds(0, GROWS // GSPLIT)],
                                  g_v.at[b, pl.ds(j * (GROWS // GSPLIT),
                                                  GROWS // GSPLIT)],
                                  gsem).wait()

    def out_slices(base):
        for tile in range(3):
            yield (rt_v.at[tile],
                   out_hbm.at[0, pl.ds(base, CHUNK),
                              pl.ds(tile * FEAT, FEAT)])
        yield rt3_v, out_hbm.at[0, pl.ds(base, CHUNK), pl.ds(3 * FEAT, TAIL)]

    def start_write(base):
        for src, dst in out_slices(base):
            pltpu.async_copy(src, dst, wsem)

    def drain_write():
        for src, dst in out_slices(0):
            pltpu.make_async_copy(dst, src, wsem).wait()

    chunk0 = wid
    load_meta(chunk0, 0)
    drain_meta(0)
    start_gather(0)
    load_meta(chunk0 + NW, 1)

    def body(i, carry):
        b = lax.rem(i, 2)
        bn = lax.rem(i + 1, 2)
        chunk = chunk0 + i * NW
        base = chunk * CHUNK

        @pl.when(chunk < NCHUNKS)
        def _():
            drain_gather(b)

            @pl.when(chunk + NW < NCHUNKS)
            def _():
                drain_meta(bn)
                start_gather(bn)

            @pl.when(i > 0)
            def _():
                drain_write()

            bk = jnp.broadcast_to(b, (16,))
            for g in range(NGROUP):
                k = lane + 16 * g
                m = k < CHUNK
                kc = jnp.minimum(k, CHUNK - 1)
                zv = jnp.zeros((16,), jnp.int32)
                for r in range(2):
                    val = plsc.load_gather(ccvp_v, [bk, 2 * kc + r], mask=m)
                    plsc.store_scatter(rt_v, [zv, kc,
                                              jnp.full((16,), 1 + r,
                                                       jnp.int32)],
                                       val, mask=m)
                for r in range(6):
                    col = 2 * CHUNK * (1 + r // 2) + 2 * kc + (r % 2)
                    val = plsc.load_gather(ccvp_v, [bk, col], mask=m)
                    plsc.store_scatter(rt_v, [zv, kc,
                                              jnp.full((16,), 3 + r,
                                                       jnp.int32)],
                                       val, mask=m)

            lo_mask = lane < (FEAT - TAIL - 7 * 16)
            hi_mask = jnp.logical_not(lo_mask)
            tail_col = lane + (TAIL + 7 * 16)
            head_col = lane - 7
            bnd_col = jnp.where(lo_mask, tail_col, head_col)

            def cell(c, cc_):
                ck = jnp.broadcast_to(c, (16,))
                for v in range(3):
                    for j in range(7):
                        rt_v[v, c, pl.ds(TAIL + 16 * j, 16)] = (
                            g_v[b, 3 * c + v, pl.ds(16 * j, 16)])
                    bv = g_v[b, 3 * c + v, pl.ds(112, 16)]
                    if v < 2:
                        tv = jnp.where(lo_mask, v, v + 1)
                        plsc.store_scatter(rt_v, [tv, ck, bnd_col], bv)
                    else:
                        plsc.store_scatter(rt_v, [jnp.full((16,), 2,
                                                           jnp.int32),
                                                  ck, tail_col],
                                           bv, mask=lo_mask)
                        plsc.store_scatter(rt3_v, [ck, head_col], bv,
                                           mask=hi_mask)
                return cc_

            lax.fori_loop(0, CHUNK, cell, 0)

            start_write(base)

            @pl.when(chunk + 2 * NW < NCHUNKS)
            def _():
                load_meta(chunk + 2 * NW, b)

        return carry

    lax.fori_loop(0, ITERS, body, 0)
    drain_write()


@functools.partial(jax.jit, static_argnames=())
def kernel(u, t, cell_centers, cell_local_vertex_pos, triangulation):
    u2 = u.reshape(NNODES, FEAT)
    t16 = jnp.broadcast_to(t.reshape(1), (16,)).astype(jnp.float32)
    tri120 = triangulation.astype(jnp.int32).reshape(NCHUNKS, 3 * CHUNK)
    tri_pad = jnp.concatenate(
        [tri120, jnp.zeros((NCHUNKS, GROWS - 3 * CHUNK), jnp.int32)],
        axis=1).reshape(NCHUNKS, GSPLIT, GROWS // GSPLIT)
    ccvp = jnp.concatenate(
        [cell_centers.reshape(NCHUNKS, 2 * CHUNK)]
        + [cell_local_vertex_pos[:, v, :].reshape(NCHUNKS, 2 * CHUNK)
           for v in range(3)], axis=1)

    mesh = plsc.VectorSubcoreMesh(core_axis_name="c", subcore_axis_name="s")
    out = pl.kernel(
        _sc_body,
        mesh=mesh,
        compiler_params=pltpu.CompilerParams(use_tc_tiling_on_sc=True,
                                             needs_layout_passes=False),
        out_type=jax.ShapeDtypeStruct((1, NCELLS, ROW), jnp.float32),
        scratch_types=[
            pltpu.VMEM((2, GSPLIT, GROWS // GSPLIT), jnp.int32),
            pltpu.VMEM((2, GROWS, FEAT), jnp.float32),
            pltpu.VMEM((2, 8 * CHUNK), jnp.float32),
            pltpu.VMEM((3, CHUNK, FEAT), jnp.float32),
            pltpu.VMEM((CHUNK, TAIL), jnp.float32),
            pltpu.VMEM((16,), jnp.float32),
            pltpu.SemaphoreType.DMA,
            pltpu.SemaphoreType.DMA,
            pltpu.SemaphoreType.DMA,
        ],
    )(u2, t16, ccvp, tri_pad)
    return out

# --- scband reference (transcript-rebuilt; emitter-appended) ---
"""Pipeline reference for scband-pdeterm-14164802142668 (READ-ONLY COPY).

The authoritative reference and input builder live on the scoring server;
editing this copy changes nothing except your own understanding.
"""

import jax, jax.numpy as jnp
import numpy as np


def setup_inputs(seed: int = 0) -> dict:
    key = jax.random.key(seed)
    k1, k2, k3, k4, k5 = jax.random.split(key, 5)
    u = jax.random.normal(k1, (1, 100000, 128), dtype=jnp.float32)
    t = jax.random.uniform(k2, (1, 1), dtype=jnp.float32)
    cell_centers = jax.random.normal(k3, (200000, 2), dtype=jnp.float32)
    cell_local_vertex_pos = jax.random.normal(k4, (200000, 3, 2), dtype=jnp.float32)
    triangulation = jax.random.randint(k5, (200000, 3), 0, 100000)
    return {
        "u": u,
        "t": t,
        "cell_centers": cell_centers,
        "cell_local_vertex_pos": cell_local_vertex_pos,
        "triangulation": triangulation,
    }


def reference(u, t, cell_centers, cell_local_vertex_pos, triangulation):
    # Faithful translation of SystemState.cell_features(stationary=False, autonomous=False),
    # which is the concrete per-cell feature assembly a PDETerm consumes.
    batch_size = u.shape[0]
    ncells = triangulation.shape[0]
    # gather node features for each cell vertex: [b, cell, vertex, feat]
    vertex_features = u[:, triangulation]
    # eo.rearrange(vertex_features, 'b c v f -> b c (v f)')
    vf = vertex_features.reshape(batch_size, ncells, -1)
    # eo.repeat(vertex_pos, 'c v s -> b c (v s)', b=batch_size)
    vp = jnp.broadcast_to(
        cell_local_vertex_pos.reshape(1, ncells, -1),
        (batch_size, ncells, cell_local_vertex_pos.shape[1] * cell_local_vertex_pos.shape[2]),
    )
    # not stationary: eo.repeat(cell_pos, 'c s -> b c s', b=batch_size)
    cp = jnp.broadcast_to(cell_centers[None, :, :], (batch_size, ncells, cell_centers.shape[-1]))
    # not autonomous: eo.repeat(time, 'b f -> b c f', c=ncells)
    time = jnp.broadcast_to(t[:, None, :], (batch_size, ncells, t.shape[-1]))
    # insertion order in original: time first, then cell_pos, then vertex_pos, then vertex_features
    return jnp.concatenate([time, cp, vp, vf], axis=-1)

if __name__ == "__main__":
    import jax
    _d = setup_inputs()
    print(jax.jit(kernel)(*tuple(_d.values())))

</pallas_src>

<mosaic_0001>
#map = affine_map<(d0, d1) -> (0, 0)>
#map1 = affine_map<(d0, d1) -> (0)>
#map2 = affine_map<(d0, d1) -> (0, 0, 0)>
module attributes {stable_mosaic.version = 14 : i64} {
  func.func @_sc_body(%arg0: i32, %arg1: i32, %arg2: memref<100000x128xf32, #tpu.memory_space<hbm>>, %arg3: memref<16xf32, #tpu.memory_space<hbm>>, %arg4: memref<5000x320xf32, #tpu.memory_space<hbm>>, %arg5: memref<5000x4x32xi32, #tpu.memory_space<hbm>>, %arg6: memref<1x200000x393xf32, #tpu.memory_space<hbm>>, %arg7: memref<2x4x32xi32, #tpu.memory_space<vmem>>, %arg8: memref<2x128x128xf32, #tpu.memory_space<vmem>>, %arg9: memref<2x320xf32, #tpu.memory_space<vmem>>, %arg10: memref<3x40x128xf32, #tpu.memory_space<vmem>>, %arg11: memref<40x9xf32, #tpu.memory_space<vmem>>, %arg12: memref<16xf32, #tpu.memory_space<vmem>>, %arg13: memref<!tpu.dma_semaphore, #tpu.memory_space<semaphore_mem>>, %arg14: memref<!tpu.dma_semaphore, #tpu.memory_space<semaphore_mem>>, %arg15: memref<!tpu.dma_semaphore, #tpu.memory_space<semaphore_mem>>) attributes {dimension_semantics = [#tpu.dimension_semantics<core_parallel>, #tpu.dimension_semantics<subcore_parallel>], iteration_bounds = array<i64: 2, 16>, scalar_prefetch = 0 : i64, scratch_operands = 9 : i64, tpu.core_type = #tpu.core_type<sc_vector_subcore>, window_params = [{transform_indices = #map}, {transform_indices = #map1}, {transform_indices = #map}, {transform_indices = #map2}, {transform_indices = #map2}]} {
    %mul3A = arith.constant 16 : i32
    %mul3A_0 = arith.muli %arg0, %mul3A : i32
    %add3A = arith.addi %mul3A_0, %arg1 : i32
    %iota3A = tpu.iota {dimensions = array<i32: 0>} : vector<16xi32>
    "tpu.region"() ({
      %run_scoped3A = tpu.sem_alloc : memref<!tpu.dma_semaphore, #tpu.memory_space<semaphore_mem>>
      tpu.enqueue_dma source(%arg3 : memref<16xf32, #tpu.memory_space<hbm>>) target(%arg12 : memref<16xf32, #tpu.memory_space<vmem>>) target_semaphore(%run_scoped3A : memref<!tpu.dma_semaphore, #tpu.memory_space<semaphore_mem>>)
      tpu.wait_dma2 semaphore(%run_scoped3A : memref<!tpu.dma_semaphore, #tpu.memory_space<semaphore_mem>>) src(%arg3 : memref<16xf32, #tpu.memory_space<hbm>>) dst(%arg12 : memref<16xf32, #tpu.memory_space<vmem>>)
      tpu.yield
    }) : () -> ()
    %get3A = arith.constant 0 : index
    %get3A_1 = tpu.vector_load %arg12[%get3A] {strides = array<i32>} : memref<16xf32, #tpu.memory_space<vmem>>, vector<16xf32>,
    %add3A_2 = arith.constant 0 : i32
    %add3A_3 = vector.broadcast %add3A_2 : i32 to vector<16xi32>
    %add3A_4 = arith.addi %iota3A, %add3A_3 : vector<16xi32>
    %min3A = arith.constant 39 : i32
    %min3A_5 = vector.broadcast %min3A : i32 to vector<16xi32>
    %min3A_6 = arith.minsi %add3A_4, %min3A_5 : vector<16xi32>
    %broadcast_in_dim3A = arith.constant 0 : i32
    %broadcast_in_dim3A_7 = vector.broadcast %broadcast_in_dim3A : i32 to vector<16xi32>
    %broadcast_in_dim3A_8 = arith.constant 0 : i32
    %broadcast_in_dim3A_9 = vector.broadcast %broadcast_in_dim3A_8 : i32 to vector<16xi32>
    %lt3A = arith.constant 40 : i32
    %lt3A_10 = vector.broadcast %lt3A : i32 to vector<16xi32>
    %lt3A_11 = arith.cmpi slt, %add3A_4, %lt3A_10 : vector<16xi32>
    tpu.vector_store_idx %arg10[%broadcast_in_dim3A_7, %min3A_6, %broadcast_in_dim3A_9], %get3A_1 masked %lt3A_11 : memref<3x40x128xf32, #tpu.memory_space<vmem>>[vector<16xi32>, vector<16xi32>, vector<16xi32>], vector<16xf32>, vector<16xi1>
    %add3A_12 = arith.constant 16 : i32
    %add3A_13 = vector.broadcast %add3A_12 : i32 to vector<16xi32>
    %add3A_14 = arith.addi %iota3A, %add3A_13 : vector<16xi32>
    %min3A_15 = arith.constant 39 : i32
    %min3A_16 = vector.broadcast %min3A_15 : i32 to vector<16xi32>
    %min3A_17 = arith.minsi %add3A_14, %min3A_16 : vector<16xi32>
    %broadcast_in_dim3A_18 = arith.constant 0 : i32
    %broadcast_in_dim3A_19 = vector.broadcast %broadcast_in_dim3A_18 : i32 to vector<16xi32>
    %broadcast_in_dim3A_20 = arith.constant 0 : i32
    %broadcast_in_dim3A_21 = vector.broadcast %broadcast_in_dim3A_20 : i32 to vector<16xi32>
    %lt3A_22 = arith.constant 40 : i32
    %lt3A_23 = vector.broadcast %lt3A_22 : i32 to vector<16xi32>
    %lt3A_24 = arith.cmpi slt, %add3A_14, %lt3A_23 : vector<16xi32>
    tpu.vector_store_idx %arg10[%broadcast_in_dim3A_19, %min3A_17, %broadcast_in_dim3A_21], %get3A_1 masked %lt3A_24 : memref<3x40x128xf32, #tpu.memory_space<vmem>>[vector<16xi32>, vector<16xi32>, vector<16xi32>], vector<16xf32>, vector<16xi1>
    %add3A_25 = arith.constant 32 : i32
    %add3A_26 = vector.broadcast %add3A_25 : i32 to vector<16xi32>
    %add3A_27 = arith.addi %iota3A, %add3A_26 : vector<16xi32>
    %min3A_28 = arith.constant 39 : i32
    %min3A_29 = vector.broadcast %min3A_28 : i32 to vector<16xi32>
    %min3A_30 = arith.minsi %add3A_27, %min3A_29 : vector<16xi32>
    %broadcast_in_dim3A_31 = arith.constant 0 : i32
    %broadcast_in_dim3A_32 = vector.broadcast %broadcast_in_dim3A_31 : i32 to vector<16xi32>
    %broadcast_in_dim3A_33 = arith.constant 0 : i32
    %broadcast_in_dim3A_34 = vector.broadcast %broadcast_in_dim3A_33 : i32 to vector<16xi32>
    %lt3A_35 = arith.constant 40 : i32
    %lt3A_36 = vector.broadcast %lt3A_35 : i32 to vector<16xi32>
    %lt3A_37 = arith.cmpi slt, %add3A_27, %lt3A_36 : vector<16xi32>
    tpu.vector_store_idx %arg10[%broadcast_in_dim3A_32, %min3A_30, %broadcast_in_dim3A_34], %get3A_1 masked %lt3A_37 : memref<3x40x128xf32, #tpu.memory_space<vmem>>[vector<16xi32>, vector<16xi32>, vector<16xi32>], vector<16xf32>, vector<16xi1>
    %dma_start3A = arith.constant 0 : i32
    %dma_start3A_38 = arith.constant 0 : i32
    %dma_start3A_39 = arith.constant 0 : i32
    %dma_start3A_40 = tpu.memref_slice %arg7[%dma_start3A, %dma_start3A_38, %dma_start3A_39] : memref<2x4x32xi32, #tpu.memory_space<vmem>> -> memref<1x4x32xi32, #tpu.memory_space<vmem>>
    %dma_start3A_41 = tpu.memref_squeeze %dma_start3A_40 : memref<1x4x32xi32, #tpu.memory_space<vmem>> -> memref<4x32xi32, #tpu.memory_space<vmem>>
    %dma_start3A_42 = arith.constant 0 : i32
    %dma_start3A_43 = arith.constant 0 : i32
    %dma_start3A_44 = tpu.memref_slice %arg5[%add3A, %dma_start3A_42, %dma_start3A_43] : memref<5000x4x32xi32, #tpu.memory_space<hbm>> -> memref<1x4x32xi32, #tpu.memory_space<hbm>>
    %dma_start3A_45 = tpu.memref_squeeze %dma_start3A_44 : memref<1x4x32xi32, #tpu.memory_space<hbm>> -> memref<4x32xi32, #tpu.memory_space<hbm>>
    %dma_start3A_46 = arith.constant 0 : i32
    %dma_start3A_47 = arith.constant 0 : i32
    %dma_start3A_48 = tpu.memref_slice %arg7[%dma_start3A, %dma_start3A_46, %dma_start3A_47] : memref<2x4x32xi32, #tpu.memory_space<vmem>> -> memref<1x4x32xi32, #tpu.memory_space<vmem>>
    %dma_start3A_49 = tpu.memref_squeeze %dma_start3A_48 : memref<1x4x32xi32, #tpu.memory_space<vmem>> -> memref<4x32xi32, #tpu.memory_space<vmem>>
    %dma_start3A_50 = arith.constant 0 : i32
    %dma_start3A_51 = arith.constant 0 : i32
    %dma_start3A_52 = tpu.memref_slice %arg5[%add3A, %dma_start3A_50, %dma_start3A_51] : memref<5000x4x32xi32, #tpu.memory_space<hbm>> -> memref<1x4x32xi32, #tpu.memory_space<hbm>>
    %dma_start3A_53 = tpu.memref_squeeze %dma_start3A_52 : memref<1x4x32xi32, #tpu.memory_space<hbm>> -> memref<4x32xi32, #tpu.memory_space<hbm>>
    tpu.enqueue_dma source(%dma_start3A_53 : memref<4x32xi32, #tpu.memory_space<hbm>>) target(%dma_start3A_49 : memref<4x32xi32, #tpu.memory_space<vmem>>) target_semaphore(%arg13 : memref<!tpu.dma_semaphore, #tpu.memory_space<semaphore_mem>>)
    %dma_start3A_54 = arith.constant 0 : i32
    %dma_start3A_55 = arith.constant 0 : i32
    %dma_start3A_56 = tpu.memref_slice %arg9[%dma_start3A_54, %dma_start3A_55] : memref<2x320xf32, #tpu.memory_space<vmem>> -> memref<1x320xf32, #tpu.memory_space<vmem>>
    %dma_start3A_57 = tpu.memref_squeeze %dma_start3A_56 : memref<1x320xf32, #tpu.memory_space<vmem>> -> memref<320xf32, #tpu.memory_space<vmem>>
    %dma_start3A_58 = arith.constant 0 : i32
    %dma_start3A_59 = tpu.memref_slice %arg4[%add3A, %dma_start3A_58] : memref<5000x320xf32, #tpu.memory_space<hbm>> -> memref<1x320xf32, #tpu.memory_space<hbm>>
    %dma_start3A_60 = tpu.memref_squeeze %dma_start3A_59 : memref<1x320xf32, #tpu.memory_space<hbm>> -> memref<320xf32, #tpu.memory_space<hbm>>
    %dma_start3A_61 = arith.constant 0 : i32
    %dma_start3A_62 = tpu.memref_slice %arg9[%dma_start3A_54, %dma_start3A_61] : memref<2x320xf32, #tpu.memory_space<vmem>> -> memref<1x320xf32, #tpu.memory_space<vmem>>
    %dma_start3A_63 = tpu.memref_squeeze %dma_start3A_62 : memref<1x320xf32, #tpu.memory_space<vmem>> -> memref<320xf32, #tpu.memory_space<vmem>>
    %dma_start3A_64 = arith.constant 0 : i32
    %dma_start3A_65 = tpu.memref_slice %arg4[%add3A, %dma_start3A_64] : memref<5000x320xf32, #tpu.memory_space<hbm>> -> memref<1x320xf32, #tpu.memory_space<hbm>>
    %dma_start3A_66 = tpu.memref_squeeze %dma_start3A_65 : memref<1x320xf32, #tpu.memory_space<hbm>> -> memref<320xf32, #tpu.memory_space<hbm>>
    tpu.enqueue_dma source(%dma_start3A_66 : memref<320xf32, #tpu.memory_space<hbm>>) target(%dma_start3A_63 : memref<320xf32, #tpu.memory_space<vmem>>) target_semaphore(%arg13 : memref<!tpu.dma_semaphore, #tpu.memory_space<semaphore_mem>>)
    %dma_wait3A = arith.constant 0 : i32
    %dma_wait3A_67 = arith.constant 0 : i32
    %dma_wait3A_68 = arith.constant 0 : i32
    %dma_wait3A_69 = arith.constant 0 : i32
    %dma_wait3A_70 = tpu.memref_slice %arg7[%dma_wait3A_67, %dma_wait3A_68, %dma_wait3A_69] : memref<2x4x32xi32, #tpu.memory_space<vmem>> -> memref<1x4x32xi32, #tpu.memory_space<vmem>>
    %dma_wait3A_71 = tpu.memref_squeeze %dma_wait3A_70 : memref<1x4x32xi32, #tpu.memory_space<vmem>> -> memref<4x32xi32, #tpu.memory_space<vmem>>
    %dma_wait3A_72 = arith.constant 0 : i32
    %dma_wait3A_73 = arith.constant 0 : i32
    %dma_wait3A_74 = tpu.memref_slice %arg5[%dma_wait3A, %dma_wait3A_72, %dma_wait3A_73] : memref<5000x4x32xi32, #tpu.memory_space<hbm>> -> memref<1x4x32xi32, #tpu.memory_space<hbm>>
    %dma_wait3A_75 = tpu.memref_squeeze %dma_wait3A_74 : memref<1x4x32xi32, #tpu.memory_space<hbm>> -> memref<4x32xi32, #tpu.memory_space<hbm>>
    %dma_wait3A_76 = arith.constant 0 : i32
    %dma_wait3A_77 = arith.constant 0 : i32
    %dma_wait3A_78 = tpu.memref_slice %arg7[%dma_wait3A_67, %dma_wait3A_76, %dma_wait3A_77] : memref<2x4x32xi32, #tpu.memory_space<vmem>> -> memref<1x4x32xi32, #tpu.memory_space<vmem>>
    %dma_wait3A_79 = tpu.memref_squeeze %dma_wait3A_78 : memref<1x4x32xi32, #tpu.memory_space<vmem>> -> memref<4x32xi32, #tpu.memory_space<vmem>>
    %dma_wait3A_80 = arith.constant 0 : i32
    %dma_wait3A_81 = arith.constant 0 : i32
    %dma_wait3A_82 = tpu.memref_slice %arg5[%dma_wait3A, %dma_wait3A_80, %dma_wait3A_81] : memref<5000x4x32xi32, #tpu.memory_space<hbm>> -> memref<1x4x32xi32, #tpu.memory_space<hbm>>
    %dma_wait3A_83 = tpu.memref_squeeze %dma_wait3A_82 : memref<1x4x32xi32, #tpu.memory_space<hbm>> -> memref<4x32xi32, #tpu.memory_space<hbm>>
    tpu.wait_dma2 semaphore(%arg13 : memref<!tpu.dma_semaphore, #tpu.memory_space<semaphore_mem>>) src(%dma_wait3A_83 : memref<4x32xi32, #tpu.memory_space<hbm>>) dst(%dma_wait3A_79 : memref<4x32xi32, #tpu.memory_space<vmem>>)
    %dma_wait3A_84 = arith.constant 0 : i32
    %dma_wait3A_85 = arith.constant 0 : i32
    %dma_wait3A_86 = arith.constant 0 : i32
    %dma_wait3A_87 = tpu.memref_slice %arg9[%dma_wait3A_85, %dma_wait3A_86] : memref<2x320xf32, #tpu.memory_space<vmem>> -> memref<1x320xf32, #tpu.memory_space<vmem>>
    %dma_wait3A_88 = tpu.memref_squeeze %dma_wait3A_87 : memref<1x320xf32, #tpu.memory_space<vmem>> -> memref<320xf32, #tpu.memory_space<vmem>>
    %dma_wait3A_89 = arith.constant 0 : i32
    %dma_wait3A_90 = tpu.memref_slice %arg4[%dma_wait3A_84, %dma_wait3A_89] : memref<5000x320xf32, #tpu.memory_space<hbm>> -> memref<1x320xf32, #tpu.memory_space<hbm>>
    %dma_wait3A_91 = tpu.memref_squeeze %dma_wait3A_90 : memref<1x320xf32, #tpu.memory_space<hbm>> -> memref<320xf32, #tpu.memory_space<hbm>>
    %dma_wait3A_92 = arith.constant 0 : i32
    %dma_wait3A_93 = tpu.memref_slice %arg9[%dma_wait3A_85, %dma_wait3A_92] : memref<2x320xf32, #tpu.memory_space<vmem>> -> memref<1x320xf32, #tpu.memory_space<vmem>>
    %dma_wait3A_94 = tpu.memref_squeeze %dma_wait3A_93 : memref<1x320xf32, #tpu.memory_space<vmem>> -> memref<320xf32, #tpu.memory_space<vmem>>
    %dma_wait3A_95 = arith.constant 0 : i32
    %dma_wait3A_96 = tpu.memref_slice %arg4[%dma_wait3A_84, %dma_wait3A_95] : memref<5000x320xf32, #tpu.memory_space<hbm>> -> memref<1x320xf32, #tpu.memory_space<hbm>>
    %dma_wait3A_97 = tpu.memref_squeeze %dma_wait3A_96 : memref<1x320xf32, #tpu.memory_space<hbm>> -> memref<320xf32, #tpu.memory_space<hbm>>
    tpu.wait_dma2 semaphore(%arg13 : memref<!tpu.dma_semaphore, #tpu.memory_space<semaphore_mem>>) src(%dma_wait3A_97 : memref<320xf32, #tpu.memory_space<hbm>>) dst(%dma_wait3A_94 : memref<320xf32, #tpu.memory_space<vmem>>)
    %dma_start3A_98 = arith.constant 0 : i32
    %dma_start3A_99 = arith.constant 0 : i32
    %dma_start3A_100 = arith.constant 0 : i32
    %dma_start3A_101 = arith.constant 0 : i32
    %dma_start3A_102 = arith.constant 0 : i32
    %dma_start3A_103 = tpu.memref_slice %arg8[%dma_start3A_100, %dma_start3A_101, %dma_start3A_102] : memref<2x128x128xf32, #tpu.memory_space<vmem>> -> memref<1x32x128xf32, #tpu.memory_space<vmem>>
    %dma_start3A_104 = tpu.memref_squeeze %dma_start3A_103 : memref<1x32x128xf32, #tpu.memory_space<vmem>> -> memref<32x128xf32, #tpu.memory_space<vmem>>
    %dma_start3A_105 = arith.constant 0 : i32
    %dma_start3A_106 = tpu.memref_slice %arg7[%dma_start3A_98, %dma_start3A_99, %dma_start3A_105] : memref<2x4x32xi32, #tpu.memory_space<vmem>> -> memref<1x1x32xi32, #tpu.memory_space<vmem>>
    %dma_start3A_107 = tpu.memref_squeeze %dma_start3A_106 : memref<1x1x32xi32, #tpu.memory_space<vmem>> -> memref<32xi32, #tpu.memory_space<vmem>>
    %dma_start3A_108 = arith.constant 0 : i32
    %dma_start3A_109 = arith.constant 0 : i32
    %dma_start3A_110 = tpu.memref_slice %arg2[%dma_start3A_108, %dma_start3A_109] : memref<100000x128xf32, #tpu.memory_space<hbm>> -> memref<100000x128xf32, #tpu.memory_space<hbm>>
    tpu.enqueue_indirect_dma source(%dma_start3A_110 : memref<100000x128xf32, #tpu.memory_space<hbm>>) target(%dma_start3A_104 : memref<32x128xf32, #tpu.memory_space<vmem>>) offsets(%dma_start3A_107 : memref<32xi32, #tpu.memory_space<vmem>>) semaphore(%arg14 : memref<!tpu.dma_semaphore, #tpu.memory_space<semaphore_mem>>)
    %dma_start3A_111 = arith.constant 0 : i32
    %dma_start3A_112 = arith.constant 1 : i32
    %dma_start3A_113 = arith.constant 0 : i32
    %dma_start3A_114 = arith.constant 32 : i32
    %dma_start3A_115 = arith.constant 0 : i32
    %dma_start3A_116 = tpu.memref_slice %arg8[%dma_start3A_113, %dma_start3A_114, %dma_start3A_115] : memref<2x128x128xf32, #tpu.memory_space<vmem>> -> memref<1x32x128xf32, #tpu.memory_space<vmem>>
    %dma_start3A_117 = tpu.memref_squeeze %dma_start3A_116 : memref<1x32x128xf32, #tpu.memory_space<vmem>> -> memref<32x128xf32, #tpu.memory_space<vmem>>
    %dma_start3A_118 = arith.constant 0 : i32
    %dma_start3A_119 = tpu.memref_slice %arg7[%dma_start3A_111, %dma_start3A_112, %dma_start3A_118] : memref<2x4x32xi32, #tpu.memory_space<vmem>> -> memref<1x1x32xi32, #tpu.memory_space<vmem>>
    %dma_start3A_120 = tpu.memref_squeeze %dma_start3A_119 : memref<1x1x32xi32, #tpu.memory_space<vmem>> -> memref<32xi32, #tpu.memory_space<vmem>>
    %dma_start3A_121 = arith.constant 0 : i32
    %dma_start3A_122 = arith.constant 0 : i32
    %dma_start3A_123 = tpu.memref_slice %arg2[%dma_start3A_121, %dma_start3A_122] : memref<100000x128xf32, #tpu.memory_space<hbm>> -> memref<100000x128xf32, #tpu.memory_space<hbm>>
    tpu.enqueue_indirect_dma source(%dma_start3A_123 : memref<100000x128xf32, #tpu.memory_space<hbm>>) target(%dma_start3A_117 : memref<32x128xf32, #tpu.memory_space<vmem>>) offsets(%dma_start3A_120 : memref<32xi32, #tpu.memory_space<vmem>>) semaphore(%arg14 : memref<!tpu.dma_semaphore, #tpu.memory_space<semaphore_mem>>)
    %dma_start3A_124 = arith.constant 0 : i32
    %dma_start3A_125 = arith.constant 2 : i32
    %dma_start3A_126 = arith.constant 0 : i32
    %dma_start3A_127 = arith.constant 64 : i32
    %dma_start3A_128 = arith.constant 0 : i32
    %dma_start3A_129 = tpu.memref_slice %arg8[%dma_start3A_126, %dma_start3A_127, %dma_start3A_128] : memref<2x128x128xf32, #tpu.memory_space<vmem>> -> memref<1x32x128xf32, #tpu.memory_space<vmem>>
    %dma_start3A_130 = tpu.memref_squeeze %dma_start3A_129 : memref<1x32x128xf32, #tpu.memory_space<vmem>> -> memref<32x128xf32, #tpu.memory_space<vmem>>
    %dma_start3A_131 = arith.constant 0 : i32
    %dma_start3A_132 = tpu.memref_slice %arg7[%dma_start3A_124, %dma_start3A_125, %dma_start3A_131] : memref<2x4x32xi32, #tpu.memory_space<vmem>> -> memref<1x1x32xi32, #tpu.memory_space<vmem>>
    %dma_start3A_133 = tpu.memref_squeeze %dma_start3A_132 : memref<1x1x32xi32, #tpu.memory_space<vmem>> -> memref<32xi32, #tpu.memory_space<vmem>>
    %dma_start3A_134 = arith.constant 0 : i32
    %dma_start3A_135 = arith.constant 0 : i32
    %dma_start3A_136 = tpu.memref_slice %arg2[%dma_start3A_134, %dma_start3A_135] : memref<100000x128xf32, #tpu.memory_space<hbm>> -> memref<100000x128xf32, #tpu.memory_space<hbm>>
    tpu.enqueue_indirect_dma source(%dma_start3A_136 : memref<100000x128xf32, #tpu.memory_space<hbm>>) target(%dma_start3A_130 : memref<32x128xf32, #tpu.memory_space<vmem>>) offsets(%dma_start3A_133 : memref<32xi32, #tpu.memory_space<vmem>>) semaphore(%arg14 : memref<!tpu.dma_semaphore, #tpu.memory_space<semaphore_mem>>)
    %dma_start3A_137 = arith.constant 0 : i32
    %dma_start3A_138 = arith.constant 3 : i32
    %dma_start3A_139 = arith.constant 0 : i32
    %dma_start3A_140 = arith.constant 96 : i32
    %dma_start3A_141 = arith.constant 0 : i32
    %dma_start3A_142 = tpu.memref_slice %arg8[%dma_start3A_139, %dma_start3A_140, %dma_start3A_141] : memref<2x128x128xf32, #tpu.memory_space<vmem>> -> memref<1x32x128xf32, #tpu.memory_space<vmem>>
    %dma_start3A_143 = tpu.memref_squeeze %dma_start3A_142 : memref<1x32x128xf32, #tpu.memory_space<vmem>> -> memref<32x128xf32, #tpu.memory_space<vmem>>
    %dma_start3A_144 = arith.constant 0 : i32
    %dma_start3A_145 = tpu.memref_slice %arg7[%dma_start3A_137, %dma_start3A_138, %dma_start3A_144] : memref<2x4x32xi32, #tpu.memory_space<vmem>> -> memref<1x1x32xi32, #tpu.memory_space<vmem>>
    %dma_start3A_146 = tpu.memref_squeeze %dma_start3A_145 : memref<1x1x32xi32, #tpu.memory_space<vmem>> -> memref<32xi32, #tpu.memory_space<vmem>>
    %dma_start3A_147 = arith.constant 0 : i32
    %dma_start3A_148 = arith.constant 0 : i32
    %dma_start3A_149 = tpu.memref_slice %arg2[%dma_start3A_147, %dma_start3A_148] : memref<100000x128xf32, #tpu.memory_space<hbm>> -> memref<100000x128xf32, #tpu.memory_space<hbm>>
    tpu.enqueue_indirect_dma source(%dma_start3A_149 : memref<100000x128xf32, #tpu.memory_space<hbm>>) target(%dma_start3A_143 : memref<32x128xf32, #tpu.memory_space<vmem>>) offsets(%dma_start3A_146 : memref<32xi32, #tpu.memory_space<vmem>>) semaphore(%arg14 : memref<!tpu.dma_semaphore, #tpu.memory_space<semaphore_mem>>)
    %add3A_150 = arith.constant 32 : i32
    %add3A_151 = arith.addi %add3A, %add3A_150 : i32
    %dma_start3A_152 = arith.constant 1 : i32
    %dma_start3A_153 = arith.constant 0 : i32
    %dma_start3A_154 = arith.constant 0 : i32
    %dma_start3A_155 = tpu.memref_slice %arg7[%dma_start3A_152, %dma_start3A_153, %dma_start3A_154] : memref<2x4x32xi32, #tpu.memory_space<vmem>> -> memref<1x4x32xi32, #tpu.memory_space<vmem>>
    %dma_start3A_156 = tpu.memref_squeeze %dma_start3A_155 : memref<1x4x32xi32, #tpu.memory_space<vmem>> -> memref<4x32xi32, #tpu.memory_space<vmem>>
    %dma_start3A_157 = arith.constant 0 : i32
    %dma_start3A_158 = arith.constant 0 : i32
    %dma_start3A_159 = tpu.memref_slice %arg5[%add3A_151, %dma_start3A_157, %dma_start3A_158] : memref<5000x4x32xi32, #tpu.memory_space<hbm>> -> memref<1x4x32xi32, #tpu.memory_space<hbm>>
    %dma_start3A_160 = tpu.memref_squeeze %dma_start3A_159 : memref<1x4x32xi32, #tpu.memory_space<hbm>> -> memref<4x32xi32, #tpu.memory_space<hbm>>
    %dma_start3A_161 = arith.constant 0 : i32
    %dma_start3A_162 = arith.constant 0 : i32
    %dma_start3A_163 = tpu.memref_slice %arg7[%dma_start3A_152, %dma_start3A_161, %dma_start3A_162] : memref<2x4x32xi32, #tpu.memory_space<vmem>> -> memref<1x4x32xi32, #tpu.memory_space<vmem>>
    %dma_start3A_164 = tpu.memref_squeeze %dma_start3A_163 : memref<1x4x32xi32, #tpu.memory_space<vmem>> -> memref<4x32xi32, #tpu.memory_space<vmem>>
    %dma_start3A_165 = arith.constant 0 : i32
    %dma_start3A_166 = arith.constant 0 : i32
    %dma_start3A_167 = tpu.memref_slice %arg5[%add3A_151, %dma_start3A_165, %dma_start3A_166] : memref<5000x4x32xi32, #tpu.memory_space<hbm>> -> memref<1x4x32xi32, #tpu.memory_space<hbm>>
    %dma_start3A_168 = tpu.memref_squeeze %dma_start3A_167 : memref<1x4x32xi32, #tpu.memory_space<hbm>> -> memref<4x32xi32, #tpu.memory_space<hbm>>
    tpu.enqueue_dma source(%dma_start3A_168 : memref<4x32xi32, #tpu.memory_space<hbm>>) target(%dma_start3A_164 : memref<4x32xi32, #tpu.memory_space<vmem>>) target_semaphore(%arg13 : memref<!tpu.dma_semaphore, #tpu.memory_space<semaphore_mem>>)
    %dma_start3A_169 = arith.constant 1 : i32
    %dma_start3A_170 = arith.constant 0 : i32
    %dma_start3A_171 = tpu.memref_slice %arg9[%dma_start3A_169, %dma_start3A_170] : memref<2x320xf32, #tpu.memory_space<vmem>> -> memref<1x320xf32, #tpu.memory_space<vmem>>
    %dma_start3A_172 = tpu.memref_squeeze %dma_start3A_171 : memref<1x320xf32, #tpu.memory_space<vmem>> -> memref<320xf32, #tpu.memory_space<vmem>>
    %dma_start3A_173 = arith.constant 0 : i32
    %dma_start3A_174 = tpu.memref_slice %arg4[%add3A_151, %dma_start3A_173] : memref<5000x320xf32, #tpu.memory_space<hbm>> -> memref<1x320xf32, #tpu.memory_space<hbm>>
    %dma_start3A_175 = tpu.memref_squeeze %dma_start3A_174 : memref<1x320xf32, #tpu.memory_space<hbm>> -> memref<320xf32, #tpu.memory_space<hbm>>
    %dma_start3A_176 = arith.constant 0 : i32
    %dma_start3A_177 = tpu.memref_slice %arg9[%dma_start3A_169, %dma_start3A_176] : memref<2x320xf32, #tpu.memory_space<vmem>> -> memref<1x320xf32, #tpu.memory_space<vmem>>
    %dma_start3A_178 = tpu.memref_squeeze %dma_start3A_177 : memref<1x320xf32, #tpu.memory_space<vmem>> -> memref<320xf32, #tpu.memory_space<vmem>>
    %dma_start3A_179 = arith.constant 0 : i32
    %dma_start3A_180 = tpu.memref_slice %arg4[%add3A_151, %dma_start3A_179] : memref<5000x320xf32, #tpu.memory_space<hbm>> -> memref<1x320xf32, #tpu.memory_space<hbm>>
    %dma_start3A_181 = tpu.memref_squeeze %dma_start3A_180 : memref<1x320xf32, #tpu.memory_space<hbm>> -> memref<320xf32, #tpu.memory_space<hbm>>
    tpu.enqueue_dma source(%dma_start3A_181 : memref<320xf32, #tpu.memory_space<hbm>>) target(%dma_start3A_178 : memref<320xf32, #tpu.memory_space<vmem>>) target_semaphore(%arg13 : memref<!tpu.dma_semaphore, #tpu.memory_space<semaphore_mem>>)
    %scan3A = arith.constant 0 : i32
    %scan3A_182 = arith.constant 0 : i32
    %scan3A_183 = arith.constant 157 : i32
    %scan3A_184 = arith.addi %scan3A_182, %scan3A_183 : i32
    %scan3A_185 = arith.constant 1 : i32
    scf.for %scan3A_250 = %scan3A_182 to %scan3A_184 step %scan3A_185  : i32 {
      %rem3A = arith.constant 2 : i32
      %rem3A_251 = arith.remsi %scan3A_250, %rem3A : i32
      %add3A_252 = arith.constant 1 : i32
      %add3A_253 = arith.addi %scan3A_250, %add3A_252 : i32
      %rem3A_254 = arith.constant 2 : i32
      %rem3A_255 = arith.remsi %add3A_253, %rem3A_254 : i32
      %mul3A_256 = arith.constant 32 : i32
      %mul3A_257 = arith.muli %scan3A_250, %mul3A_256 : i32
      %add3A_258 = arith.addi %add3A, %mul3A_257 : i32
      %mul3A_259 = arith.constant 40 : i32
      %mul3A_260 = arith.muli %add3A_258, %mul3A_259 : i32
      %lt3A_261 = arith.constant 5000 : i32
      %lt3A_262 = arith.cmpi slt, %add3A_258, %lt3A_261 : i32
      %convert_element_type3A = arith.extui %lt3A_262 : i1 to i32
      %cond3A = arith.constant 0 : i32
      %cond3A_263 = arith.cmpi ne, %convert_element_type3A, %cond3A : i32
      scf.if %cond3A_263 {
        %dma_wait3A_264 = arith.constant 0 : i32
        %dma_wait3A_265 = arith.constant 0 : i32
        %dma_wait3A_266 = tpu.memref_slice %arg8[%rem3A_251, %dma_wait3A_264, %dma_wait3A_265] : memref<2x128x128xf32, #tpu.memory_space<vmem>> -> memref<1x32x128xf32, #tpu.memory_space<vmem>>
        %dma_wait3A_267 = tpu.memref_squeeze %dma_wait3A_266 : memref<1x32x128xf32, #tpu.memory_space<vmem>> -> memref<32x128xf32, #tpu.memory_space<vmem>>
        %dma_wait3A_268 = arith.constant 0 : i32
        %dma_wait3A_269 = arith.constant 0 : i32
        %dma_wait3A_270 = tpu.memref_slice %arg2[%dma_wait3A_268, %dma_wait3A_269] : memref<100000x128xf32, #tpu.memory_space<hbm>> -> memref<32x128xf32, #tpu.memory_space<hbm>>
        %dma_wait3A_271 = arith.constant 0 : i32
        %dma_wait3A_272 = arith.constant 0 : i32
        %dma_wait3A_273 = tpu.memref_slice %arg8[%rem3A_251, %dma_wait3A_271, %dma_wait3A_272] : memref<2x128x128xf32, #tpu.memory_space<vmem>> -> memref<1x32x128xf32, #tpu.memory_space<vmem>>
        %dma_wait3A_274 = tpu.memref_squeeze %dma_wait3A_273 : memref<1x32x128xf32, #tpu.memory_space<vmem>> -> memref<32x128xf32, #tpu.memory_space<vmem>>
        %dma_wait3A_275 = arith.constant 0 : i32
        %dma_wait3A_276 = arith.constant 0 : i32
        %dma_wait3A_277 = tpu.memref_slice %arg2[%dma_wait3A_275, %dma_wait3A_276] : memref<100000x128xf32, #tpu.memory_space<hbm>> -> memref<32x128xf32, #tpu.memory_space<hbm>>
        tpu.wait_dma2 semaphore(%arg14 : memref<!tpu.dma_semaphore, #tpu.memory_space<semaphore_mem>>) src(%dma_wait3A_277 : memref<32x128xf32, #tpu.memory_space<hbm>>) dst(%dma_wait3A_274 : memref<32x128xf32, #tpu.memory_space<vmem>>)
        %dma_wait3A_278 = arith.constant 32 : i32
        %dma_wait3A_279 = arith.constant 0 : i32
        %dma_wait3A_280 = tpu.memref_slice %arg8[%rem3A_251, %dma_wait3A_278, %dma_wait3A_279] : memref<2x128x128xf32, #tpu.memory_space<vmem>> -> memref<1x32x128xf32, #tpu.memory_space<vmem>>
        %dma_wait3A_281 = tpu.memref_squeeze %dma_wait3A_280 : memref<1x32x128xf32, #tpu.memory_space<vmem>> -> memref<32x128xf32, #tpu.memory_space<vmem>>
        %dma_wait3A_282 = arith.constant 0 : i32
        %dma_wait3A_283 = arith.constant 0 : i32
        %dma_wait3A_284 = tpu.memref_slice %arg2[%dma_wait3A_282, %dma_wait3A_283] : memref<100000x128xf32, #tpu.memory_space<hbm>> -> memref<32x128xf32, #tpu.memory_space<hbm>>
        %dma_wait3A_285 = arith.constant 32 : i32
        %dma_wait3A_286 = arith.constant 0 : i32
        %dma_wait3A_287 = tpu.memref_slice %arg8[%rem3A_251, %dma_wait3A_285, %dma_wait3A_286] : memref<2x128x128xf32, #tpu.memory_space<vmem>> -> memref<1x32x128xf32, #tpu.memory_space<vmem>>
        %dma_wait3A_288 = tpu.memref_squeeze %dma_wait3A_287 : memref<1x32x128xf32, #tpu.memory_space<vmem>> -> memref<32x128xf32, #tpu.memory_space<vmem>>
        %dma_wait3A_289 = arith.constant 0 : i32
        %dma_wait3A_290 = arith.constant 0 : i32
        %dma_wait3A_291 = tpu.memref_slice %arg2[%dma_wait3A_289, %dma_wait3A_290] : memref<100000x128xf32, #tpu.memory_space<hbm>> -> memref<32x128xf32, #tpu.memory_space<hbm>>
        tpu.wait_dma2 semaphore(%arg14 : memref<!tpu.dma_semaphore, #tpu.memory_space<semaphore_mem>>) src(%dma_wait3A_291 : memref<32x128xf32, #tpu.memory_space<hbm>>) dst(%dma_wait3A_288 : memref<32x128xf32, #tpu.memory_space<vmem>>)
        %dma_wait3A_292 = arith.constant 64 : i32
        %dma_wait3A_293 = arith.constant 0 : i32
        %dma_wait3A_294 = tpu.memref_slice %arg8[%rem3A_251, %dma_wait3A_292, %dma_wait3A_293] : memref<2x128x128xf32, #tpu.memory_space<vmem>> -> memref<1x32x128xf32, #tpu.memory_space<vmem>>
        %dma_wait3A_295 = tpu.memref_squeeze %dma_wait3A_294 : memref<1x32x128xf32, #tpu.memory_space<vmem>> -> memref<32x128xf32, #tpu.memory_space<vmem>>
        %dma_wait3A_296 = arith.constant 0 : i32
        %dma_wait3A_297 = arith.constant 0 : i32
        %dma_wait3A_298 = tpu.memref_slice %arg2[%dma_wait3A_296, %dma_wait3A_297] : memref<100000x128xf32, #tpu.memory_space<hbm>> -> memref<32x128xf32, #tpu.memory_space<hbm>>
        %dma_wait3A_299 = arith.constant 64 : i32
        %dma_wait3A_300 = arith.constant 0 : i32
        %dma_wait3A_301 = tpu.memref_slice %arg8[%rem3A_251, %dma_wait3A_299, %dma_wait3A_300] : memref<2x128x128xf32, #tpu.memory_space<vmem>> -> memref<1x32x128xf32, #tpu.memory_space<vmem>>
        %dma_wait3A_302 = tpu.memref_squeeze %dma_wait3A_301 : memref<1x32x128xf32, #tpu.memory_space<vmem>> -> memref<32x128xf32, #tpu.memory_space<vmem>>
        %dma_wait3A_303 = arith.constant 0 : i32
        %dma_wait3A_304 = arith.constant 0 : i32
        %dma_wait3A_305 = tpu.memref_slice %arg2[%dma_wait3A_303, %dma_wait3A_304] : memref<100000x128xf32, #tpu.memory_space<hbm>> -> memref<32x128xf32, #tpu.memory_space<hbm>>
        tpu.wait_dma2 semaphore(%arg14 : memref<!tpu.dma_semaphore, #tpu.memory_space<semaphore_mem>>) src(%dma_wait3A_305 : memref<32x128xf32, #tpu.memory_space<hbm>>) dst(%dma_wait3A_302 : memref<32x128xf32, #tpu.memory_space<vmem>>)
        %dma_wait3A_306 = arith.constant 96 : i32
        %dma_wait3A_307 = arith.constant 0 : i32
        %dma_wait3A_308 = tpu.memref_slice %arg8[%rem3A_251, %dma_wait3A_306, %dma_wait3A_307] : memref<2x128x128xf32, #tpu.memory_space<vmem>> -> memref<1x32x128xf32, #tpu.memory_space<vmem>>
        %dma_wait3A_309 = tpu.memref_squeeze %dma_wait3A_308 : memref<1x32x128xf32, #tpu.memory_space<vmem>> -> memref<32x128xf32, #tpu.memory_space<vmem>>
        %dma_wait3A_310 = arith.constant 0 : i32
        %dma_wait3A_311 = arith.constant 0 : i32
        %dma_wait3A_312 = tpu.memref_slice %arg2[%dma_wait3A_310, %dma_wait3A_311] : memref<100000x128xf32, #tpu.memory_space<hbm>> -> memref<32x128xf32, #tpu.memory_space<hbm>>
        %dma_wait3A_313 = arith.constant 96 : i32
        %dma_wait3A_314 = arith.constant 0 : i32
        %dma_wait3A_315 = tpu.memref_slice %arg8[%rem3A_251, %dma_wait3A_313, %dma_wait3A_314] : memref<2x128x128xf32, #tpu.memory_space<vmem>> -> memref<1x32x128xf32, #tpu.memory_space<vmem>>
        %dma_wait3A_316 = tpu.memref_squeeze %dma_wait3A_315 : memref<1x32x128xf32, #tpu.memory_space<vmem>> -> memref<32x128xf32, #tpu.memory_space<vmem>>
        %dma_wait3A_317 = arith.constant 0 : i32
        %dma_wait3A_318 = arith.constant 0 : i32
        %dma_wait3A_319 = tpu.memref_slice %arg2[%dma_wait3A_317, %dma_wait3A_318] : memref<100000x128xf32, #tpu.memory_space<hbm>> -> memref<32x128xf32, #tpu.memory_space<hbm>>
        tpu.wait_dma2 semaphore(%arg14 : memref<!tpu.dma_semaphore, #tpu.memory_space<semaphore_mem>>) src(%dma_wait3A_319 : memref<32x128xf32, #tpu.memory_space<hbm>>) dst(%dma_wait3A_316 : memref<32x128xf32, #tpu.memory_space<vmem>>)
        %add3A_320 = arith.constant 32 : i32
        %add3A_321 = arith.addi %add3A_258, %add3A_320 : i32
        %lt3A_322 = arith.constant 5000 : i32
        %lt3A_323 = arith.cmpi slt, %add3A_321, %lt3A_322 : i32
        %convert_element_type3A_324 = arith.extui %lt3A_323 : i1 to i32
        %cond3A_325 = arith.constant 0 : i32
        %cond3A_326 = arith.cmpi ne, %convert_element_type3A_324, %cond3A_325 : i32
        scf.if %cond3A_326 {
          %dma_wait3A_711 = arith.constant 0 : i32
          %dma_wait3A_712 = arith.constant 0 : i32
          %dma_wait3A_713 = arith.constant 0 : i32
          %dma_wait3A_714 = tpu.memref_slice %arg7[%rem3A_255, %dma_wait3A_712, %dma_wait3A_713] : memref<2x4x32xi32, #tpu.memory_space<vmem>> -> memref<1x4x32xi32, #tpu.memory_space<vmem>>
          %dma_wait3A_715 = tpu.memref_squeeze %dma_wait3A_714 : memref<1x4x32xi32, #tpu.memory_space<vmem>> -> memref<4x32xi32, #tpu.memory_space<vmem>>
          %dma_wait3A_716 = arith.constant 0 : i32
          %dma_wait3A_717 = arith.constant 0 : i32
          %dma_wait3A_718 = tpu.memref_slice %arg5[%dma_wait3A_711, %dma_wait3A_716, %dma_wait3A_717] : memref<5000x4x32xi32, #tpu.memory_space<hbm>> -> memref<1x4x32xi32, #tpu.memory_space<hbm>>
          %dma_wait3A_719 = tpu.memref_squeeze %dma_wait3A_718 : memref<1x4x32xi32, #tpu.memory_space<hbm>> -> memref<4x32xi32, #tpu.memory_space<hbm>>
          %dma_wait3A_720 = arith.constant 0 : i32
          %dma_wait3A_721 = arith.constant 0 : i32
          %dma_wait3A_722 = tpu.memref_slice %arg7[%rem3A_255, %dma_wait3A_720, %dma_wait3A_721] : memref<2x4x32xi32, #tpu.memory_space<vmem>> -> memref<1x4x32xi32, #tpu.memory_space<vmem>>
          %dma_wait3A_723 = tpu.memref_squeeze %dma_wait3A_722 : memref<1x4x32xi32, #tpu.memory_space<vmem>> -> memref<4x32xi32, #tpu.memory_space<vmem>>
          %dma_wait3A_724 = arith.constant 0 : i32
          %dma_wait3A_725 = arith.constant 0 : i32
          %dma_wait3A_726 = tpu.memref_slice %arg5[%dma_wait3A_711, %dma_wait3A_724, %dma_wait3A_725] : memref<5000x4x32xi32, #tpu.memory_space<hbm>> -> memref<1x4x32xi32, #tpu.memory_space<hbm>>
          %dma_wait3A_727 = tpu.memref_squeeze %dma_wait3A_726 : memref<1x4x32xi32, #tpu.memory_space<hbm>> -> memref<4x32xi32, #tpu.memory_space<hbm>>
          tpu.wait_dma2 semaphore(%arg13 : memref<!tpu.dma_semaphore, #tpu.memory_space<semaphore_mem>>) src(%dma_wait3A_727 : memref<4x32xi32, #tpu.memory_space<hbm>>) dst(%dma_wait3A_723 : memref<4x32xi32, #tpu.memory_space<vmem>>)
          %dma_wait3A_728 = arith.constant 0 : i32
          %dma_wait3A_729 = arith.constant 0 : i32
          %dma_wait3A_730 = tpu.memref_slice %arg9[%rem3A_255, %dma_wait3A_729] : memref<2x320xf32, #tpu.memory_space<vmem>> -> memref<1x320xf32, #tpu.memory_space<vmem>>
          %dma_wait3A_731 = tpu.memref_squeeze %dma_wait3A_730 : memref<1x320xf32, #tpu.memory_space<vmem>> -> memref<320xf32, #tpu.memory_space<vmem>>
          %dma_wait3A_732 = arith.constant 0 : i32
          %dma_wait3A_733 = tpu.memref_slice %arg4[%dma_wait3A_728, %dma_wait3A_732] : memref<5000x320xf32, #tpu.memory_space<hbm>> -> memref<1x320xf32, #tpu.memory_space<hbm>>
          %dma_wait3A_734 = tpu.memref_squeeze %dma_wait3A_733 : memref<1x320xf32, #tpu.memory_space<hbm>> -> memref<320xf32, #tpu.memory_space<hbm>>
          %dma_wait3A_735 = arith.constant 0 : i32
          %dma_wait3A_736 = tpu.memref_slice %arg9[%rem3A_255, %dma_wait3A_735] : memref<2x320xf32, #tpu.memory_space<vmem>> -> memref<1x320xf32, #tpu.memory_space<vmem>>
          %dma_wait3A_737 = tpu.memref_squeeze %dma_wait3A_736 : memref<1x320xf32, #tpu.memory_space<vmem>> -> memref<320xf32, #tpu.memory_space<vmem>>
          %dma_wait3A_738 = arith.constant 0 : i32
          %dma_wait3A_739 = tpu.memref_slice %arg4[%dma_wait3A_728, %dma_wait3A_738] : memref<5000x320xf32, #tpu.memory_space<hbm>> -> memref<1x320xf32, #tpu.memory_space<hbm>>
          %dma_wait3A_740 = tpu.memref_squeeze %dma_wait3A_739 : memref<1x320xf32, #tpu.memory_space<hbm>> -> memref<320xf32, #tpu.memory_space<hbm>>
          tpu.wait_dma2 semaphore(%arg13 : memref<!tpu.dma_semaphore, #tpu.memory_space<semaphore_mem>>) src(%dma_wait3A_740 : memref<320xf32, #tpu.memory_space<hbm>>) dst(%dma_wait3A_737 : memref<320xf32, #tpu.memory_space<vmem>>)
          %dma_start3A_741 = arith.constant 0 : i32
          %dma_start3A_742 = arith.constant 0 : i32
          %dma_start3A_743 = arith.constant 0 : i32
          %dma_start3A_744 = tpu.memref_slice %arg8[%rem3A_255, %dma_start3A_742, %dma_start3A_743] : memref<2x128x128xf32, #tpu.memory_space<vmem>> -> memref<1x32x128xf32, #tpu.memory_space<vmem>>
          %dma_start3A_745 = tpu.memref_squeeze %dma_start3A_744 : memref<1x32x128xf32, #tpu.memory_space<vmem>> -> memref<32x128xf32, #tpu.memory_space<vmem>>
          %dma_start3A_746 = arith.constant 0 : i32
          %dma_start3A_747 = tpu.memref_slice %arg7[%rem3A_255, %dma_start3A_741, %dma_start3A_746] : memref<2x4x32xi32, #tpu.memory_space<vmem>> -> memref<1x1x32xi32, #tpu.memory_space<vmem>>
          %dma_start3A_748 = tpu.memref_squeeze %dma_start3A_747 : memref<1x1x32xi32, #tpu.memory_space<vmem>> -> memref<32xi32, #tpu.memory_space<vmem>>
          %dma_start3A_749 = arith.constant 0 : i32
          %dma_start3A_750 = arith.constant 0 : i32
          %dma_start3A_751 = tpu.memref_slice %arg2[%dma_start3A_749, %dma_start3A_750] : memref<100000x128xf32, #tpu.memory_space<hbm>> -> memref<100000x128xf32, #tpu.memory_space<hbm>>
          tpu.enqueue_indirect_dma source(%dma_start3A_751 : memref<100000x128xf32, #tpu.memory_space<hbm>>) target(%dma_start3A_745 : memref<32x128xf32, #tpu.memory_space<vmem>>) offsets(%dma_start3A_748 : memref<32xi32, #tpu.memory_space<vmem>>) semaphore(%arg14 : memref<!tpu.dma_semaphore, #tpu.memory_space<semaphore_mem>>)
          %dma_start3A_752 = arith.constant 1 : i32
          %dma_start3A_753 = arith.constant 32 : i32
          %dma_start3A_754 = arith.constant 0 : i32
          %dma_start3A_755 = tpu.memref_slice %arg8[%rem3A_255, %dma_start3A_753, %dma_start3A_754] : memref<2x128x128xf32, #tpu.memory_space<vmem>> -> memref<1x32x128xf32, #tpu.memory_space<vmem>>
          %dma_start3A_756 = tpu.memref_squeeze %dma_start3A_755 : memref<1x32x128xf32, #tpu.memory_space<vmem>> -> memref<32x128xf32, #tpu.memory_space<vmem>>
          %dma_start3A_757 = arith.constant 0 : i32
          %dma_start3A_758 = tpu.memref_slice %arg7[%rem3A_255, %dma_start3A_752, %dma_start3A_757] : memref<2x4x32xi32, #tpu.memory_space<vmem>> -> memref<1x1x32xi32, #tpu.memory_space<vmem>>
          %dma_start3A_759 = tpu.memref_squeeze %dma_start3A_758 : memref<1x1x32xi32, #tpu.memory_space<vmem>> -> memref<32xi32, #tpu.memory_space<vmem>>
          %dma_start3A_760 = arith.constant 0 : i32
          %dma_start3A_761 = arith.constant 0 : i32
          %dma_start3A_762 = tpu.memref_slice %arg2[%dma_start3A_760, %dma_start3A_761] : memref<100000x128xf32, #tpu.memory_space<hbm>> -> memref<100000x128xf32, #tpu.memory_space<hbm>>
          tpu.enqueue_indirect_dma source(%dma_start3A_762 : memref<100000x128xf32, #tpu.memory_space<hbm>>) target(%dma_start3A_756 : memref<32x128xf32, #tpu.memory_space<vmem>>) offsets(%dma_start3A_759 : memref<32xi32, #tpu.memory_space<vmem>>) semaphore(%arg14 : memref<!tpu.dma_semaphore, #tpu.memory_space<semaphore_mem>>)
          %dma_start3A_763 = arith.constant 2 : i32
          %dma_start3A_764 = arith.constant 64 : i32
          %dma_start3A_765 = arith.constant 0 : i32
          %dma_start3A_766 = tpu.memref_slice %arg8[%rem3A_255, %dma_start3A_764, %dma_start3A_765] : memref<2x128x128xf32, #tpu.memory_space<vmem>> -> memref<1x32x128xf32, #tpu.memory_space<vmem>>
          %dma_start3A_767 = tpu.memref_squeeze %dma_start3A_766 : memref<1x32x128xf32, #tpu.memory_space<vmem>> -> memref<32x128xf32, #tpu.memory_space<vmem>>
          %dma_start3A_768 = arith.constant 0 : i32
          %dma_start3A_769 = tpu.memref_slice %arg7[%rem3A_255, %dma_start3A_763, %dma_start3A_768] : memref<2x4x32xi32, #tpu.memory_space<vmem>> -> memref<1x1x32xi32, #tpu.memory_space<vmem>>
          %dma_start3A_770 = tpu.memref_squeeze %dma_start3A_769 : memref<1x1x32xi32, #tpu.memory_space<vmem>> -> memref<32xi32, #tpu.memory_space<vmem>>
          %dma_start3A_771 = arith.constant 0 : i32
          %dma_start3A_772 = arith.constant 0 : i32
          %dma_start3A_773 = tpu.memref_slice %arg2[%dma_start3A_771, %dma_start3A_772] : memref<100000x128xf32, #tpu.memory_space<hbm>> -> memref<100000x128xf32, #tpu.memory_space<hbm>>
          tpu.enqueue_indirect_dma source(%dma_start3A_773 : memref<100000x128xf32, #tpu.memory_space<hbm>>) target(%dma_start3A_767 : memref<32x128xf32, #tpu.memory_space<vmem>>) offsets(%dma_start3A_770 : memref<32xi32, #tpu.memory_space<vmem>>) semaphore(%arg14 : memref<!tpu.dma_semaphore, #tpu.memory_space<semaphore_mem>>)
          %dma_start3A_774 = arith.constant 3 : i32
          %dma_start3A_775 = arith.constant 96 : i32
          %dma_start3A_776 = arith.constant 0 : i32
          %dma_start3A_777 = tpu.memref_slice %arg8[%rem3A_255, %dma_start3A_775, %dma_start3A_776] : memref<2x128x128xf32, #tpu.memory_space<vmem>> -> memref<1x32x128xf32, #tpu.memory_space<vmem>>
          %dma_start3A_778 = tpu.memref_squeeze %dma_start3A_777 : memref<1x32x128xf32, #tpu.memory_space<vmem>> -> memref<32x128xf32, #tpu.memory_space<vmem>>
          %dma_start3A_779 = arith.constant 0 : i32
          %dma_start3A_780 = tpu.memref_slice %arg7[%rem3A_255, %dma_start3A_774, %dma_start3A_779] : memref<2x4x32xi32, #tpu.memory_space<vmem>> -> memref<1x1x32xi32, #tpu.memory_space<vmem>>
          %dma_start3A_781 = tpu.memref_squeeze %dma_start3A_780 : memref<1x1x32xi32, #tpu.memory_space<vmem>> -> memref<32xi32, #tpu.memory_space<vmem>>
          %dma_start3A_782 = arith.constant 0 : i32
          %dma_start3A_783 = arith.constant 0 : i32
          %dma_start3A_784 = tpu.memref_slice %arg2[%dma_start3A_782, %dma_start3A_783] : memref<100000x128xf32, #tpu.memory_space<hbm>> -> memref<100000x128xf32, #tpu.memory_space<hbm>>
          tpu.enqueue_indirect_dma source(%dma_start3A_784 : memref<100000x128xf32, #tpu.memory_space<hbm>>) target(%dma_start3A_778 : memref<32x128xf32, #tpu.memory_space<vmem>>) offsets(%dma_start3A_781 : memref<32xi32, #tpu.memory_space<vmem>>) semaphore(%arg14 : memref<!tpu.dma_semaphore, #tpu.memory_space<semaphore_mem>>)
        } else {
        }
        %gt3A = arith.constant 0 : i32
        %gt3A_327 = arith.cmpi sgt, %scan3A_250, %gt3A : i32
        %convert_element_type3A_328 = arith.extui %gt3A_327 : i1 to i32
        %cond3A_329 = arith.constant 0 : i32
        %cond3A_330 = arith.cmpi ne, %convert_element_type3A_328, %cond3A_329 : i32
        scf.if %cond3A_330 {
          %dma_wait3A_711 = arith.constant 0 : i32
          %dma_wait3A_712 = arith.constant 0 : i32
          %dma_wait3A_713 = arith.constant 0 : i32
          %dma_wait3A_714 = arith.constant 0 : i32
          %dma_wait3A_715 = tpu.memref_slice %arg10[%dma_wait3A_712, %dma_wait3A_713, %dma_wait3A_714] : memref<3x40x128xf32, #tpu.memory_space<vmem>> -> memref<1x40x128xf32, #tpu.memory_space<vmem>>
          %dma_wait3A_716 = tpu.memref_squeeze %dma_wait3A_715 : memref<1x40x128xf32, #tpu.memory_space<vmem>> -> memref<40x128xf32, #tpu.memory_space<vmem>>
          %dma_wait3A_717 = arith.constant 0 : i32
          %dma_wait3A_718 = arith.constant 0 : i32
          %dma_wait3A_719 = tpu.memref_slice %arg6[%dma_wait3A_711, %dma_wait3A_717, %dma_wait3A_718] : memref<1x200000x393xf32, #tpu.memory_space<hbm>> -> memref<1x40x128xf32, #tpu.memory_space<hbm>>
          %dma_wait3A_720 = tpu.memref_squeeze %dma_wait3A_719 : memref<1x40x128xf32, #tpu.memory_space<hbm>> -> memref<40x128xf32, #tpu.memory_space<hbm>>
          %dma_wait3A_721 = arith.constant 0 : i32
          %dma_wait3A_722 = arith.constant 0 : i32
          %dma_wait3A_723 = tpu.memref_slice %arg10[%dma_wait3A_712, %dma_wait3A_721, %dma_wait3A_722] : memref<3x40x128xf32, #tpu.memory_space<vmem>> -> memref<1x40x128xf32, #tpu.memory_space<vmem>>
          %dma_wait3A_724 = tpu.memref_squeeze %dma_wait3A_723 : memref<1x40x128xf32, #tpu.memory_space<vmem>> -> memref<40x128xf32, #tpu.memory_space<vmem>>
          %dma_wait3A_725 = arith.constant 0 : i32
          %dma_wait3A_726 = arith.constant 0 : i32
          %dma_wait3A_727 = tpu.memref_slice %arg6[%dma_wait3A_711, %dma_wait3A_725, %dma_wait3A_726] : memref<1x200000x393xf32, #tpu.memory_space<hbm>> -> memref<1x40x128xf32, #tpu.memory_space<hbm>>
          %dma_wait3A_728 = tpu.memref_squeeze %dma_wait3A_727 : memref<1x40x128xf32, #tpu.memory_space<hbm>> -> memref<40x128xf32, #tpu.memory_space<hbm>>
          tpu.wait_dma2 semaphore(%arg15 : memref<!tpu.dma_semaphore, #tpu.memory_space<semaphore_mem>>) src(%dma_wait3A_728 : memref<40x128xf32, #tpu.memory_space<hbm>>) dst(%dma_wait3A_724 : memref<40x128xf32, #tpu.memory_space<vmem>>)
          %dma_wait3A_729 = arith.constant 0 : i32
          %dma_wait3A_730 = arith.constant 1 : i32
          %dma_wait3A_731 = arith.constant 0 : i32
          %dma_wait3A_732 = arith.constant 0 : i32
          %dma_wait3A_733 = tpu.memref_slice %arg10[%dma_wait3A_730, %dma_wait3A_731, %dma_wait3A_732] : memref<3x40x128xf32, #tpu.memory_space<vmem>> -> memref<1x40x128xf32, #tpu.memory_space<vmem>>
          %dma_wait3A_734 = tpu.memref_squeeze %dma_wait3A_733 : memref<1x40x128xf32, #tpu.memory_space<vmem>> -> memref<40x128xf32, #tpu.memory_space<vmem>>
          %dma_wait3A_735 = arith.constant 0 : i32
          %dma_wait3A_736 = arith.constant 128 : i32
          %dma_wait3A_737 = tpu.memref_slice %arg6[%dma_wait3A_729, %dma_wait3A_735, %dma_wait3A_736] : memref<1x200000x393xf32, #tpu.memory_space<hbm>> -> memref<1x40x128xf32, #tpu.memory_space<hbm>>
          %dma_wait3A_738 = tpu.memref_squeeze %dma_wait3A_737 : memref<1x40x128xf32, #tpu.memory_space<hbm>> -> memref<40x128xf32, #tpu.memory_space<hbm>>
          %dma_wait3A_739 = arith.constant 0 : i32
          %dma_wait3A_740 = arith.constant 0 : i32
          %dma_wait3A_741 = tpu.memref_slice %arg10[%dma_wait3A_730, %dma_wait3A_739, %dma_wait3A_740] : memref<3x40x128xf32, #tpu.memory_space<vmem>> -> memref<1x40x128xf32, #tpu.memory_space<vmem>>
          %dma_wait3A_742 = tpu.memref_squeeze %dma_wait3A_741 : memref<1x40x128xf32, #tpu.memory_space<vmem>> -> memref<40x128xf32, #tpu.memory_space<vmem>>
          %dma_wait3A_743 = arith.constant 0 : i32
          %dma_wait3A_744 = arith.constant 128 : i32
          %dma_wait3A_745 = tpu.memref_slice %arg6[%dma_wait3A_729, %dma_wait3A_743, %dma_wait3A_744] : memref<1x200000x393xf32, #tpu.memory_space<hbm>> -> memref<1x40x128xf32, #tpu.memory_space<hbm>>
          %dma_wait3A_746 = tpu.memref_squeeze %dma_wait3A_745 : memref<1x40x128xf32, #tpu.memory_space<hbm>> -> memref<40x128xf32, #tpu.memory_space<hbm>>
          tpu.wait_dma2 semaphore(%arg15 : memref<!tpu.dma_semaphore, #tpu.memory_space<semaphore_mem>>) src(%dma_wait3A_746 : memref<40x128xf32, #tpu.memory_space<hbm>>) dst(%dma_wait3A_742 : memref<40x128xf32, #tpu.memory_space<vmem>>)
          %dma_wait3A_747 = arith.constant 0 : i32
          %dma_wait3A_748 = arith.constant 2 : i32
          %dma_wait3A_749 = arith.constant 0 : i32
          %dma_wait3A_750 = arith.constant 0 : i32
          %dma_wait3A_751 = tpu.memref_slice %arg10[%dma_wait3A_748, %dma_wait3A_749, %dma_wait3A_750] : memref<3x40x128xf32, #tpu.memory_space<vmem>> -> memref<1x40x128xf32, #tpu.memory_space<vmem>>
          %dma_wait3A_752 = tpu.memref_squeeze %dma_wait3A_751 : memref<1x40x128xf32, #tpu.memory_space<vmem>> -> memref<40x128xf32, #tpu.memory_space<vmem>>
          %dma_wait3A_753 = arith.constant 0 : i32
          %dma_wait3A_754 = arith.constant 256 : i32
          %dma_wait3A_755 = tpu.memref_slice %arg6[%dma_wait3A_747, %dma_wait3A_753, %dma_wait3A_754] : memref<1x200000x393xf32, #tpu.memory_space<hbm>> -> memref<1x40x128xf32, #tpu.memory_space<hbm>>
          %dma_wait3A_756 = tpu.memref_squeeze %dma_wait3A_755 : memref<1x40x128xf32, #tpu.memory_space<hbm>> -> memref<40x128xf32, #tpu.memory_space<hbm>>
          %dma_wait3A_757 = arith.constant 0 : i32
          %dma_wait3A_758 = arith.constant 0 : i32
          %dma_wait3A_759 = tpu.memref_slice %arg10[%dma_wait3A_748, %dma_wait3A_757, %dma_wait3A_758] : memref<3x40x128xf32, #tpu.memory_space<vmem>> -> memref<1x40x128xf32, #tpu.memory_space<vmem>>
          %dma_wait3A_760 = tpu.memref_squeeze %dma_wait3A_759 : memref<1x40x128xf32, #tpu.memory_space<vmem>> -> memref<40x128xf32, #tpu.memory_space<vmem>>
          %dma_wait3A_761 = arith.constant 0 : i32
          %dma_wait3A_762 = arith.constant 256 : i32
          %dma_wait3A_763 = tpu.memref_slice %arg6[%dma_wait3A_747, %dma_wait3A_761, %dma_wait3A_762] : memref<1x200000x393xf32, #tpu.memory_space<hbm>> -> memref<1x40x128xf32, #tpu.memory_space<hbm>>
          %dma_wait3A_764 = tpu.memref_squeeze %dma_wait3A_763 : memref<1x40x128xf32, #tpu.memory_space<hbm>> -> memref<40x128xf32, #tpu.memory_space<hbm>>
          tpu.wait_dma2 semaphore(%arg15 : memref<!tpu.dma_semaphore, #tpu.memory_space<semaphore_mem>>) src(%dma_wait3A_764 : memref<40x128xf32, #tpu.memory_space<hbm>>) dst(%dma_wait3A_760 : memref<40x128xf32, #tpu.memory_space<vmem>>)
          %dma_wait3A_765 = arith.constant 0 : i32
          %dma_wait3A_766 = arith.constant 0 : i32
          %dma_wait3A_767 = arith.constant 384 : i32
          %dma_wait3A_768 = tpu.memref_slice %arg6[%dma_wait3A_765, %dma_wait3A_766, %dma_wait3A_767] : memref<1x200000x393xf32, #tpu.memory_space<hbm>> -> memref<1x40x9xf32, #tpu.memory_space<hbm>>
          %dma_wait3A_769 = tpu.memref_squeeze %dma_wait3A_768 : memref<1x40x9xf32, #tpu.memory_space<hbm>> -> memref<40x9xf32, #tpu.memory_space<hbm>>
          %dma_wait3A_770 = arith.constant 0 : i32
          %dma_wait3A_771 = arith.constant 384 : i32
          %dma_wait3A_772 = tpu.memref_slice %arg6[%dma_wait3A_765, %dma_wait3A_770, %dma_wait3A_771] : memref<1x200000x393xf32, #tpu.memory_space<hbm>> -> memref<1x40x9xf32, #tpu.memory_space<hbm>>
          %dma_wait3A_773 = tpu.memref_squeeze %dma_wait3A_772 : memref<1x40x9xf32, #tpu.memory_space<hbm>> -> memref<40x9xf32, #tpu.memory_space<hbm>>
          tpu.wait_dma2 semaphore(%arg15 : memref<!tpu.dma_semaphore, #tpu.memory_space<semaphore_mem>>) src(%dma_wait3A_773 : memref<40x9xf32, #tpu.memory_space<hbm>>) dst(%arg11 : memref<40x9xf32, #tpu.memory_space<vmem>>)
        } else {
        }
        %broadcast_in_dim3A_331 = vector.broadcast %rem3A_251 : i32 to vector<16xi32>
        %add3A_332 = arith.constant 0 : i32
        %add3A_333 = vector.broadcast %add3A_332 : i32 to vector<16xi32>
        %add3A_334 = arith.addi %iota3A, %add3A_333 : vector<16xi32>
        %lt3A_335 = arith.constant 40 : i32
        %lt3A_336 = vector.broadcast %lt3A_335 : i32 to vector<16xi32>
        %lt3A_337 = arith.cmpi slt, %add3A_334, %lt3A_336 : vector<16xi32>
        %min3A_338 = arith.constant 39 : i32
        %min3A_339 = vector.broadcast %min3A_338 : i32 to vector<16xi32>
        %min3A_340 = arith.minsi %add3A_334, %min3A_339 : vector<16xi32>
        %broadcast_in_dim3A_341 = arith.constant 0 : i32
        %broadcast_in_dim3A_342 = vector.broadcast %broadcast_in_dim3A_341 : i32 to vector<16xi32>
        %mul3A_343 = arith.constant 2 : i32
        %mul3A_344 = vector.broadcast %mul3A_343 : i32 to vector<16xi32>
        %mul3A_345 = arith.muli %mul3A_344, %min3A_340 : vector<16xi32>
        %add3A_346 = arith.constant 0 : i32
        %add3A_347 = vector.broadcast %add3A_346 : i32 to vector<16xi32>
        %add3A_348 = arith.addi %mul3A_345, %add3A_347 : vector<16xi32>
        %gather3A = tpu.vector_load_idx %arg9[%broadcast_in_dim3A_331, %add3A_348] masked %lt3A_337 : memref<2x320xf32, #tpu.memory_space<vmem>>[vector<16xi32>, vector<16xi32>], vector<16xf32>, vector<16xi1>
        %broadcast_in_dim3A_349 = arith.constant 1 : i32
        %broadcast_in_dim3A_350 = vector.broadcast %broadcast_in_dim3A_349 : i32 to vector<16xi32>
        tpu.vector_store_idx %arg10[%broadcast_in_dim3A_342, %min3A_340, %broadcast_in_dim3A_350], %gather3A masked %lt3A_337 : memref<3x40x128xf32, #tpu.memory_space<vmem>>[vector<16xi32>, vector<16xi32>, vector<16xi32>], vector<16xf32>, vector<16xi1>
        %mul3A_351 = arith.constant 2 : i32
        %mul3A_352 = vector.broadcast %mul3A_351 : i32 to vector<16xi32>
        %mul3A_353 = arith.muli %mul3A_352, %min3A_340 : vector<16xi32>
        %add3A_354 = arith.constant 1 : i32
        %add3A_355 = vector.broadcast %add3A_354 : i32 to vector<16xi32>
        %add3A_356 = arith.addi %mul3A_353, %add3A_355 : vector<16xi32>
        %gather3A_357 = tpu.vector_load_idx %arg9[%broadcast_in_dim3A_331, %add3A_356] masked %lt3A_337 : memref<2x320xf32, #tpu.memory_space<vmem>>[vector<16xi32>, vector<16xi32>], vector<16xf32>, vector<16xi1>
        %broadcast_in_dim3A_358 = arith.constant 2 : i32
        %broadcast_in_dim3A_359 = vector.broadcast %broadcast_in_dim3A_358 : i32 to vector<16xi32>
        tpu.vector_store_idx %arg10[%broadcast_in_dim3A_342, %min3A_340, %broadcast_in_dim3A_359], %gather3A_357 masked %lt3A_337 : memref<3x40x128xf32, #tpu.memory_space<vmem>>[vector<16xi32>, vector<16xi32>, vector<16xi32>], vector<16xf32>, vector<16xi1>
        %mul3A_360 = arith.constant 2 : i32
        %mul3A_361 = vector.broadcast %mul3A_360 : i32 to vector<16xi32>
        %mul3A_362 = arith.muli %mul3A_361, %min3A_340 : vector<16xi32>
        %add3A_363 = arith.constant 80 : i32
        %add3A_364 = vector.broadcast %add3A_363 : i32 to vector<16xi32>
        %add3A_365 = arith.addi %add3A_364, %mul3A_362 : vector<16xi32>
        %add3A_366 = arith.constant 0 : i32
        %add3A_367 = vector.broadcast %add3A_366 : i32 to vector<16xi32>
        %add3A_368 = arith.addi %add3A_365, %add3A_367 : vector<16xi32>
        %gather3A_369 = tpu.vector_load_idx %arg9[%broadcast_in_dim3A_331, %add3A_368] masked %lt3A_337 : memref<2x320xf32, #tpu.memory_space<vmem>>[vector<16xi32>, vector<16xi32>], vector<16xf32>, vector<16xi1>
        %broadcast_in_dim3A_370 = arith.constant 3 : i32
        %broadcast_in_dim3A_371 = vector.broadcast %broadcast_in_dim3A_370 : i32 to vector<16xi32>
        tpu.vector_store_idx %arg10[%broadcast_in_dim3A_342, %min3A_340, %broadcast_in_dim3A_371], %gather3A_369 masked %lt3A_337 : memref<3x40x128xf32, #tpu.memory_space<vmem>>[vector<16xi32>, vector<16xi32>, vector<16xi32>], vector<16xf32>, vector<16xi1>
        %mul3A_372 = arith.constant 2 : i32
        %mul3A_373 = vector.broadcast %mul3A_372 : i32 to vector<16xi32>
        %mul3A_374 = arith.muli %mul3A_373, %min3A_340 : vector<16xi32>
        %add3A_375 = arith.constant 80 : i32
        %add3A_376 = vector.broadcast %add3A_375 : i32 to vector<16xi32>
        %add3A_377 = arith.addi %add3A_376, %mul3A_374 : vector<16xi32>
        %add3A_378 = arith.constant 1 : i32
        %add3A_379 = vector.broadcast %add3A_378 : i32 to vector<16xi32>
        %add3A_380 = arith.addi %add3A_377, %add3A_379 : vector<16xi32>
        %gather3A_381 = tpu.vector_load_idx %arg9[%broadcast_in_dim3A_331, %add3A_380] masked %lt3A_337 : memref<2x320xf32, #tpu.memory_space<vmem>>[vector<16xi32>, vector<16xi32>], vector<16xf32>, vector<16xi1>
        %broadcast_in_dim3A_382 = arith.constant 4 : i32
        %broadcast_in_dim3A_383 = vector.broadcast %broadcast_in_dim3A_382 : i32 to vector<16xi32>
        tpu.vector_store_idx %arg10[%broadcast_in_dim3A_342, %min3A_340, %broadcast_in_dim3A_383], %gather3A_381 masked %lt3A_337 : memref<3x40x128xf32, #tpu.memory_space<vmem>>[vector<16xi32>, vector<16xi32>, vector<16xi32>], vector<16xf32>, vector<16xi1>
        %mul3A_384 = arith.constant 2 : i32
        %mul3A_385 = vector.broadcast %mul3A_384 : i32 to vector<16xi32>
        %mul3A_386 = arith.muli %mul3A_385, %min3A_340 : vector<16xi32>
        %add3A_387 = arith.constant 160 : i32
        %add3A_388 = vector.broadcast %add3A_387 : i32 to vector<16xi32>
        %add3A_389 = arith.addi %add3A_388, %mul3A_386 : vector<16xi32>
        %add3A_390 = arith.constant 0 : i32
        %add3A_391 = vector.broadcast %add3A_390 : i32 to vector<16xi32>
        %add3A_392 = arith.addi %add3A_389, %add3A_391 : vector<16xi32>
        %gather3A_393 = tpu.vector_load_idx %arg9[%broadcast_in_dim3A_331, %add3A_392] masked %lt3A_337 : memref<2x320xf32, #tpu.memory_space<vmem>>[vector<16xi32>, vector<16xi32>], vector<16xf32>, vector<16xi1>
        %broadcast_in_dim3A_394 = arith.constant 5 : i32
        %broadcast_in_dim3A_395 = vector.broadcast %broadcast_in_dim3A_394 : i32 to vector<16xi32>
        tpu.vector_store_idx %arg10[%broadcast_in_dim3A_342, %min3A_340, %broadcast_in_dim3A_395], %gather3A_393 masked %lt3A_337 : memref<3x40x128xf32, #tpu.memory_space<vmem>>[vector<16xi32>, vector<16xi32>, vector<16xi32>], vector<16xf32>, vector<16xi1>
        %mul3A_396 = arith.constant 2 : i32
        %mul3A_397 = vector.broadcast %mul3A_396 : i32 to vector<16xi32>
        %mul3A_398 = arith.muli %mul3A_397, %min3A_340 : vector<16xi32>
        %add3A_399 = arith.constant 160 : i32
        %add3A_400 = vector.broadcast %add3A_399 : i32 to vector<16xi32>
        %add3A_401 = arith.addi %add3A_400, %mul3A_398 : vector<16xi32>
        %add3A_402 = arith.constant 1 : i32
        %add3A_403 = vector.broadcast %add3A_402 : i32 to vector<16xi32>
        %add3A_404 = arith.addi %add3A_401, %add3A_403 : vector<16xi32>
        %gather3A_405 = tpu.vector_load_idx %arg9[%broadcast_in_dim3A_331, %add3A_404] masked %lt3A_337 : memref<2x320xf32, #tpu.memory_space<vmem>>[vector<16xi32>, vector<16xi32>], vector<16xf32>, vector<16xi1>
        %broadcast_in_dim3A_406 = arith.constant 6 : i32
        %broadcast_in_dim3A_407 = vector.broadcast %broadcast_in_dim3A_406 : i32 to vector<16xi32>
        tpu.vector_store_idx %arg10[%broadcast_in_dim3A_342, %min3A_340, %broadcast_in_dim3A_407], %gather3A_405 masked %lt3A_337 : memref<3x40x128xf32, #tpu.memory_space<vmem>>[vector<16xi32>, vector<16xi32>, vector<16xi32>], vector<16xf32>, vector<16xi1>
        %mul3A_408 = arith.constant 2 : i32
        %mul3A_409 = vector.broadcast %mul3A_408 : i32 to vector<16xi32>
        %mul3A_410 = arith.muli %mul3A_409, %min3A_340 : vector<16xi32>
        %add3A_411 = arith.constant 240 : i32
        %add3A_412 = vector.broadcast %add3A_411 : i32 to vector<16xi32>
        %add3A_413 = arith.addi %add3A_412, %mul3A_410 : vector<16xi32>
        %add3A_414 = arith.constant 0 : i32
        %add3A_415 = vector.broadcast %add3A_414 : i32 to vector<16xi32>
        %add3A_416 = arith.addi %add3A_413, %add3A_415 : vector<16xi32>
        %gather3A_417 = tpu.vector_load_idx %arg9[%broadcast_in_dim3A_331, %add3A_416] masked %lt3A_337 : memref<2x320xf32, #tpu.memory_space<vmem>>[vector<16xi32>, vector<16xi32>], vector<16xf32>, vector<16xi1>
        %broadcast_in_dim3A_418 = arith.constant 7 : i32
        %broadcast_in_dim3A_419 = vector.broadcast %broadcast_in_dim3A_418 : i32 to vector<16xi32>
        tpu.vector_store_idx %arg10[%broadcast_in_dim3A_342, %min3A_340, %broadcast_in_dim3A_419], %gather3A_417 masked %lt3A_337 : memref<3x40x128xf32, #tpu.memory_space<vmem>>[vector<16xi32>, vector<16xi32>, vector<16xi32>], vector<16xf32>, vector<16xi1>
        %mul3A_420 = arith.constant 2 : i32
        %mul3A_421 = vector.broadcast %mul3A_420 : i32 to vector<16xi32>
        %mul3A_422 = arith.muli %mul3A_421, %min3A_340 : vector<16xi32>
        %add3A_423 = arith.constant 240 : i32
        %add3A_424 = vector.broadcast %add3A_423 : i32 to vector<16xi32>
        %add3A_425 = arith.addi %add3A_424, %mul3A_422 : vector<16xi32>
        %add3A_426 = arith.constant 1 : i32
        %add3A_427 = vector.broadcast %add3A_426 : i32 to vector<16xi32>
        %add3A_428 = arith.addi %add3A_425, %add3A_427 : vector<16xi32>
        %gather3A_429 = tpu.vector_load_idx %arg9[%broadcast_in_dim3A_331, %add3A_428] masked %lt3A_337 : memref<2x320xf32, #tpu.memory_space<vmem>>[vector<16xi32>, vector<16xi32>], vector<16xf32>, vector<16xi1>
        %broadcast_in_dim3A_430 = arith.constant 8 : i32
        %broadcast_in_dim3A_431 = vector.broadcast %broadcast_in_dim3A_430 : i32 to vector<16xi32>
        tpu.vector_store_idx %arg10[%broadcast_in_dim3A_342, %min3A_340, %broadcast_in_dim3A_431], %gather3A_429 masked %lt3A_337 : memref<3x40x128xf32, #tpu.memory_space<vmem>>[vector<16xi32>, vector<16xi32>, vector<16xi32>], vector<16xf32>, vector<16xi1>
        %add3A_432 = arith.constant 16 : i32
        %add3A_433 = vector.broadcast %add3A_432 : i32 to vector<16xi32>
        %add3A_434 = arith.addi %iota3A, %add3A_433 : vector<16xi32>
        %lt3A_435 = arith.constant 40 : i32
        %lt3A_436 = vector.broadcast %lt3A_435 : i32 to vector<16xi32>
        %lt3A_437 = arith.cmpi slt, %add3A_434, %lt3A_436 : vector<16xi32>
        %min3A_438 = arith.constant 39 : i32
        %min3A_439 = vector.broadcast %min3A_438 : i32 to vector<16xi32>
        %min3A_440 = arith.minsi %add3A_434, %min3A_439 : vector<16xi32>
        %broadcast_in_dim3A_441 = arith.constant 0 : i32
        %broadcast_in_dim3A_442 = vector.broadcast %broadcast_in_dim3A_441 : i32 to vector<16xi32>
        %mul3A_443 = arith.constant 2 : i32
        %mul3A_444 = vector.broadcast %mul3A_443 : i32 to vector<16xi32>
        %mul3A_445 = arith.muli %mul3A_444, %min3A_440 : vector<16xi32>
        %add3A_446 = arith.constant 0 : i32
        %add3A_447 = vector.broadcast %add3A_446 : i32 to vector<16xi32>
        %add3A_448 = arith.addi %mul3A_445, %add3A_447 : vector<16xi32>
        %gather3A_449 = tpu.vector_load_idx %arg9[%broadcast_in_dim3A_331, %add3A_448] masked %lt3A_437 : memref<2x320xf32, #tpu.memory_space<vmem>>[vector<16xi32>, vector<16xi32>], vector<16xf32>, vector<16xi1>
        %broadcast_in_dim3A_450 = arith.constant 1 : i32
        %broadcast_in_dim3A_451 = vector.broadcast %broadcast_in_dim3A_450 : i32 to vector<16xi32>
        tpu.vector_store_idx %arg10[%broadcast_in_dim3A_442, %min3A_440, %broadcast_in_dim3A_451], %gather3A_449 masked %lt3A_437 : memref<3x40x128xf32, #tpu.memory_space<vmem>>[vector<16xi32>, vector<16xi32>, vector<16xi32>], vector<16xf32>, vector<16xi1>
        %mul3A_452 = arith.constant 2 : i32
        %mul3A_453 = vector.broadcast %mul3A_452 : i32 to vector<16xi32>
        %mul3A_454 = arith.muli %mul3A_453, %min3A_440 : vector<16xi32>
        %add3A_455 = arith.constant 1 : i32
        %add3A_456 = vector.broadcast %add3A_455 : i32 to vector<16xi32>
        %add3A_457 = arith.addi %mul3A_454, %add3A_456 : vector<16xi32>
        %gather3A_458 = tpu.vector_load_idx %arg9[%broadcast_in_dim3A_331, %add3A_457] masked %lt3A_437 : memref<2x320xf32, #tpu.memory_space<vmem>>[vector<16xi32>, vector<16xi32>], vector<16xf32>, vector<16xi1>
        %broadcast_in_dim3A_459 = arith.constant 2 : i32
        %broadcast_in_dim3A_460 = vector.broadcast %broadcast_in_dim3A_459 : i32 to vector<16xi32>
        tpu.vector_store_idx %arg10[%broadcast_in_dim3A_442, %min3A_440, %broadcast_in_dim3A_460], %gather3A_458 masked %lt3A_437 : memref<3x40x128xf32, #tpu.memory_space<vmem>>[vector<16xi32>, vector<16xi32>, vector<16xi32>], vector<16xf32>, vector<16xi1>
        %mul3A_461 = arith.constant 2 : i32
        %mul3A_462 = vector.broadcast %mul3A_461 : i32 to vector<16xi32>
        %mul3A_463 = arith.muli %mul3A_462, %min3A_440 : vector<16xi32>
        %add3A_464 = arith.constant 80 : i32
        %add3A_465 = vector.broadcast %add3A_464 : i32 to vector<16xi32>
        %add3A_466 = arith.addi %add3A_465, %mul3A_463 : vector<16xi32>
        %add3A_467 = arith.constant 0 : i32
        %add3A_468 = vector.broadcast %add3A_467 : i32 to vector<16xi32>
        %add3A_469 = arith.addi %add3A_466, %add3A_468 : vector<16xi32>
        %gather3A_470 = tpu.vector_load_idx %arg9[%broadcast_in_dim3A_331, %add3A_469] masked %lt3A_437 : memref<2x320xf32, #tpu.memory_space<vmem>>[vector<16xi32>, vector<16xi32>], vector<16xf32>, vector<16xi1>
        %broadcast_in_dim3A_471 = arith.constant 3 : i32
        %broadcast_in_dim3A_472 = vector.broadcast %broadcast_in_dim3A_471 : i32 to vector<16xi32>
        tpu.vector_store_idx %arg10[%broadcast_in_dim3A_442, %min3A_440, %broadcast_in_dim3A_472], %gather3A_470 masked %lt3A_437 : memref<3x40x128xf32, #tpu.memory_space<vmem>>[vector<16xi32>, vector<16xi32>, vector<16xi32>], vector<16xf32>, vector<16xi1>
        %mul3A_473 = arith.constant 2 : i32
        %mul3A_474 = vector.broadcast %mul3A_473 : i32 to vector<16xi32>
        %mul3A_475 = arith.muli %mul3A_474, %min3A_440 : vector<16xi32>
        %add3A_476 = arith.constant 80 : i32
        %add3A_477 = vector.broadcast %add3A_476 : i32 to vector<16xi32>
        %add3A_478 = arith.addi %add3A_477, %mul3A_475 : vector<16xi32>
        %add3A_479 = arith.constant 1 : i32
        %add3A_480 = vector.broadcast %add3A_479 : i32 to vector<16xi32>
        %add3A_481 = arith.addi %add3A_478, %add3A_480 : vector<16xi32>
        %gather3A_482 = tpu.vector_load_idx %arg9[%broadcast_in_dim3A_331, %add3A_481] masked %lt3A_437 : memref<2x320xf32, #tpu.memory_space<vmem>>[vector<16xi32>, vector<16xi32>], vector<16xf32>, vector<16xi1>
        %broadcast_in_dim3A_483 = arith.constant 4 : i32
        %broadcast_in_dim3A_484 = vector.broadcast %broadcast_in_dim3A_483 : i32 to vector<16xi32>
        tpu.vector_store_idx %arg10[%broadcast_in_dim3A_442, %min3A_440, %broadcast_in_dim3A_484], %gather3A_482 masked %lt3A_437 : memref<3x40x128xf32, #tpu.memory_space<vmem>>[vector<16xi32>, vector<16xi32>, vector<16xi32>], vector<16xf32>, vector<16xi1>
        %mul3A_485 = arith.constant 2 : i32
        %mul3A_486 = vector.broadcast %mul3A_485 : i32 to vector<16xi32>
        %mul3A_487 = arith.muli %mul3A_486, %min3A_440 : vector<16xi32>
        %add3A_488 = arith.constant 160 : i32
        %add3A_489 = vector.broadcast %add3A_488 : i32 to vector<16xi32>
        %add3A_490 = arith.addi %add3A_489, %mul3A_487 : vector<16xi32>
        %add3A_491 = arith.constant 0 : i32
        %add3A_492 = vector.broadcast %add3A_491 : i32 to vector<16xi32>
        %add3A_493 = arith.addi %add3A_490, %add3A_492 : vector<16xi32>
        %gather3A_494 = tpu.vector_load_idx %arg9[%broadcast_in_dim3A_331, %add3A_493] masked %lt3A_437 : memref<2x320xf32, #tpu.memory_space<vmem>>[vector<16xi32>, vector<16xi32>], vector<16xf32>, vector<16xi1>
        %broadcast_in_dim3A_495 = arith.constant 5 : i32
        %broadcast_in_dim3A_496 = vector.broadcast %broadcast_in_dim3A_495 : i32 to vector<16xi32>
        tpu.vector_store_idx %arg10[%broadcast_in_dim3A_442, %min3A_440, %broadcast_in_dim3A_496], %gather3A_494 masked %lt3A_437 : memref<3x40x128xf32, #tpu.memory_space<vmem>>[vector<16xi32>, vector<16xi32>, vector<16xi32>], vector<16xf32>, vector<16xi1>
        %mul3A_497 = arith.constant 2 : i32
        %mul3A_498 = vector.broadcast %mul3A_497 : i32 to vector<16xi32>
        %mul3A_499 = arith.muli %mul3A_498, %min3A_440 : vector<16xi32>
        %add3A_500 = arith.constant 160 : i32
        %add3A_501 = vector.broadcast %add3A_500 : i32 to vector<16xi32>
        %add3A_502 = arith.addi %add3A_501, %mul3A_499 : vector<16xi32>
        %add3A_503 = arith.constant 1 : i32
        %add3A_504 = vector.broadcast %add3A_503 : i32 to vector<16xi32>
        %add3A_505 = arith.addi %add3A_502, %add3A_504 : vector<16xi32>
        %gather3A_506 = tpu.vector_load_idx %arg9[%broadcast_in_dim3A_331, %add3A_505] masked %lt3A_437 : memref<2x320xf32, #tpu.memory_space<vmem>>[vector<16xi32>, vector<16xi32>], vector<16xf32>, vector<16xi1>
        %broadcast_in_dim3A_507 = arith.constant 6 : i32
        %broadcast_in_dim3A_508 = vector.broadcast %broadcast_in_dim3A_507 : i32 to vector<16xi32>
        tpu.vector_store_idx %arg10[%broadcast_in_dim3A_442, %min3A_440, %broadcast_in_dim3A_508], %gather3A_506 masked %lt3A_437 : memref<3x40x128xf32, #tpu.memory_space<vmem>>[vector<16xi32>, vector<16xi32>, vector<16xi32>], vector<16xf32>, vector<16xi1>
        %mul3A_509 = arith.constant 2 : i32
        %mul3A_510 = vector.broadcast %mul3A_509 : i32 to vector<16xi32>
        %mul3A_511 = arith.muli %mul3A_510, %min3A_440 : vector<16xi32>
        %add3A_512 = arith.constant 240 : i32
        %add3A_513 = vector.broadcast %add3A_512 : i32 to vector<16xi32>
        %add3A_514 = arith.addi %add3A_513, %mul3A_511 : vector<16xi32>
        %add3A_515 = arith.constant 0 : i32
        %add3A_516 = vector.broadcast %add3A_515 : i32 to vector<16xi32>
        %add3A_517 = arith.addi %add3A_514, %add3A_516 : vector<16xi32>
        %gather3A_518 = tpu.vector_load_idx %arg9[%broadcast_in_dim3A_331, %add3A_517] masked %lt3A_437 : memref<2x320xf32, #tpu.memory_space<vmem>>[vector<16xi32>, vector<16xi32>], vector<16xf32>, vector<16xi1>
        %broadcast_in_dim3A_519 = arith.constant 7 : i32
        %broadcast_in_dim3A_520 = vector.broadcast %broadcast_in_dim3A_519 : i32 to vector<16xi32>
        tpu.vector_store_idx %arg10[%broadcast_in_dim3A_442, %min3A_440, %broadcast_in_dim3A_520], %gather3A_518 masked %lt3A_437 : memref<3x40x128xf32, #tpu.memory_space<vmem>>[vector<16xi32>, vector<16xi32>, vector<16xi32>], vector<16xf32>, vector<16xi1>
        %mul3A_521 = arith.constant 2 : i32
        %mul3A_522 = vector.broadcast %mul3A_521 : i32 to vector<16xi32>
        %mul3A_523 = arith.muli %mul3A_522, %min3A_440 : vector<16xi32>
        %add3A_524 = arith.constant 240 : i32
        %add3A_525 = vector.broadcast %add3A_524 : i32 to vector<16xi32>
        %add3A_526 = arith.addi %add3A_525, %mul3A_523 : vector<16xi32>
        %add3A_527 = arith.constant 1 : i32
        %add3A_528 = vector.broadcast %add3A_527 : i32 to vector<16xi32>
        %add3A_529 = arith.addi %add3A_526, %add3A_528 : vector<16xi32>
        %gather3A_530 = tpu.vector_load_idx %arg9[%broadcast_in_dim3A_331, %add3A_529] masked %lt3A_437 : memref<2x320xf32, #tpu.memory_space<vmem>>[vector<16xi32>, vector<16xi32>], vector<16xf32>, vector<16xi1>
        %broadcast_in_dim3A_531 = arith.constant 8 : i32
        %broadcast_in_dim3A_532 = vector.broadcast %broadcast_in_dim3A_531 : i32 to vector<16xi32>
        tpu.vector_store_idx %arg10[%broadcast_in_dim3A_442, %min3A_440, %broadcast_in_dim3A_532], %gather3A_530 masked %lt3A_437 : memref<3x40x128xf32, #tpu.memory_space<vmem>>[vector<16xi32>, vector<16xi32>, vector<16xi32>], vector<16xf32>, vector<16xi1>
        %add3A_533 = arith.constant 32 : i32
        %add3A_534 = vector.broadcast %add3A_533 : i32 to vector<16xi32>
        %add3A_535 = arith.addi %iota3A, %add3A_534 : vector<16xi32>
        %lt3A_536 = arith.constant 40 : i32
        %lt3A_537 = vector.broadcast %lt3A_536 : i32 to vector<16xi32>
        %lt3A_538 = arith.cmpi slt, %add3A_535, %lt3A_537 : vector<16xi32>
        %min3A_539 = arith.constant 39 : i32
        %min3A_540 = vector.broadcast %min3A_539 : i32 to vector<16xi32>
        %min3A_541 = arith.minsi %add3A_535, %min3A_540 : vector<16xi32>
        %broadcast_in_dim3A_542 = arith.constant 0 : i32
        %broadcast_in_dim3A_543 = vector.broadcast %broadcast_in_dim3A_542 : i32 to vector<16xi32>
        %mul3A_544 = arith.constant 2 : i32
        %mul3A_545 = vector.broadcast %mul3A_544 : i32 to vector<16xi32>
        %mul3A_546 = arith.muli %mul3A_545, %min3A_541 : vector<16xi32>
        %add3A_547 = arith.constant 0 : i32
        %add3A_548 = vector.broadcast %add3A_547 : i32 to vector<16xi32>
        %add3A_549 = arith.addi %mul3A_546, %add3A_548 : vector<16xi32>
        %gather3A_550 = tpu.vector_load_idx %arg9[%broadcast_in_dim3A_331, %add3A_549] masked %lt3A_538 : memref<2x320xf32, #tpu.memory_space<vmem>>[vector<16xi32>, vector<16xi32>], vector<16xf32>, vector<16xi1>
        %broadcast_in_dim3A_551 = arith.constant 1 : i32
        %broadcast_in_dim3A_552 = vector.broadcast %broadcast_in_dim3A_551 : i32 to vector<16xi32>
        tpu.vector_store_idx %arg10[%broadcast_in_dim3A_543, %min3A_541, %broadcast_in_dim3A_552], %gather3A_550 masked %lt3A_538 : memref<3x40x128xf32, #tpu.memory_space<vmem>>[vector<16xi32>, vector<16xi32>, vector<16xi32>], vector<16xf32>, vector<16xi1>
        %mul3A_553 = arith.constant 2 : i32
        %mul3A_554 = vector.broadcast %mul3A_553 : i32 to vector<16xi32>
        %mul3A_555 = arith.muli %mul3A_554, %min3A_541 : vector<16xi32>
        %add3A_556 = arith.constant 1 : i32
        %add3A_557 = vector.broadcast %add3A_556 : i32 to vector<16xi32>
        %add3A_558 = arith.addi %mul3A_555, %add3A_557 : vector<16xi32>
        %gather3A_559 = tpu.vector_load_idx %arg9[%broadcast_in_dim3A_331, %add3A_558] masked %lt3A_538 : memref<2x320xf32, #tpu.memory_space<vmem>>[vector<16xi32>, vector<16xi32>], vector<16xf32>, vector<16xi1>
        %broadcast_in_dim3A_560 = arith.constant 2 : i32
        %broadcast_in_dim3A_561 = vector.broadcast %broadcast_in_dim3A_560 : i32 to vector<16xi32>
        tpu.vector_store_idx %arg10[%broadcast_in_dim3A_543, %min3A_541, %broadcast_in_dim3A_561], %gather3A_559 masked %lt3A_538 : memref<3x40x128xf32, #tpu.memory_space<vmem>>[vector<16xi32>, vector<16xi32>, vector<16xi32>], vector<16xf32>, vector<16xi1>
        %mul3A_562 = arith.constant 2 : i32
        %mul3A_563 = vector.broadcast %mul3A_562 : i32 to vector<16xi32>
        %mul3A_564 = arith.muli %mul3A_563, %min3A_541 : vector<16xi32>
        %add3A_565 = arith.constant 80 : i32
        %add3A_566 = vector.broadcast %add3A_565 : i32 to vector<16xi32>
        %add3A_567 = arith.addi %add3A_566, %mul3A_564 : vector<16xi32>
        %add3A_568 = arith.constant 0 : i32
        %add3A_569 = vector.broadcast %add3A_568 : i32 to vector<16xi32>
        %add3A_570 = arith.addi %add3A_567, %add3A_569 : vector<16xi32>
        %gather3A_571 = tpu.vector_load_idx %arg9[%broadcast_in_dim3A_331, %add3A_570] masked %lt3A_538 : memref<2x320xf32, #tpu.memory_space<vmem>>[vector<16xi32>, vector<16xi32>], vector<16xf32>, vector<16xi1>
        %broadcast_in_dim3A_572 = arith.constant 3 : i32
        %broadcast_in_dim3A_573 = vector.broadcast %broadcast_in_dim3A_572 : i32 to vector<16xi32>
        tpu.vector_store_idx %arg10[%broadcast_in_dim3A_543, %min3A_541, %broadcast_in_dim3A_573], %gather3A_571 masked %lt3A_538 : memref<3x40x128xf32, #tpu.memory_space<vmem>>[vector<16xi32>, vector<16xi32>, vector<16xi32>], vector<16xf32>, vector<16xi1>
        %mul3A_574 = arith.constant 2 : i32
        %mul3A_575 = vector.broadcast %mul3A_574 : i32 to vector<16xi32>
        %mul3A_576 = arith.muli %mul3A_575, %min3A_541 : vector<16xi32>
        %add3A_577 = arith.constant 80 : i32
        %add3A_578 = vector.broadcast %add3A_577 : i32 to vector<16xi32>
        %add3A_579 = arith.addi %add3A_578, %mul3A_576 : vector<16xi32>
        %add3A_580 = arith.constant 1 : i32
        %add3A_581 = vector.broadcast %add3A_580 : i32 to vector<16xi32>
        %add3A_582 = arith.addi %add3A_579, %add3A_581 : vector<16xi32>
        %gather3A_583 = tpu.vector_load_idx %arg9[%broadcast_in_dim3A_331, %add3A_582] masked %lt3A_538 : memref<2x320xf32, #tpu.memory_space<vmem>>[vector<16xi32>, vector<16xi32>], vector<16xf32>, vector<16xi1>
        %broadcast_in_dim3A_584 = arith.constant 4 : i32
        %broadcast_in_dim3A_585 = vector.broadcast %broadcast_in_dim3A_584 : i32 to vector<16xi32>
        tpu.vector_store_idx %arg10[%broadcast_in_dim3A_543, %min3A_541, %broadcast_in_dim3A_585], %gather3A_583 masked %lt3A_538 : memref<3x40x128xf32, #tpu.memory_space<vmem>>[vector<16xi32>, vector<16xi32>, vector<16xi32>], vector<16xf32>, vector<16xi1>
        %mul3A_586 = arith.constant 2 : i32
        %mul3A_587 = vector.broadcast %mul3A_586 : i32 to vector<16xi32>
        %mul3A_588 = arith.muli %mul3A_587, %min3A_541 : vector<16xi32>
        %add3A_589 = arith.constant 160 : i32
        %add3A_590 = vector.broadcast %add3A_589 : i32 to vector<16xi32>
        %add3A_591 = arith.addi %add3A_590, %mul3A_588 : vector<16xi32>
        %add3A_592 = arith.constant 0 : i32
        %add3A_593 = vector.broadcast %add3A_592 : i32 to vector<16xi32>
        %add3A_594 = arith.addi %add3A_591, %add3A_593 : vector<16xi32>
        %gather3A_595 = tpu.vector_load_idx %arg9[%broadcast_in_dim3A_331, %add3A_594] masked %lt3A_538 : memref<2x320xf32, #tpu.memory_space<vmem>>[vector<16xi32>, vector<16xi32>], vector<16xf32>, vector<16xi1>
        %broadcast_in_dim3A_596 = arith.constant 5 : i32
        %broadcast_in_dim3A_597 = vector.broadcast %broadcast_in_dim3A_596 : i32 to vector<16xi32>
        tpu.vector_store_idx %arg10[%broadcast_in_dim3A_543, %min3A_541, %broadcast_in_dim3A_597], %gather3A_595 masked %lt3A_538 : memref<3x40x128xf32, #tpu.memory_space<vmem>>[vector<16xi32>, vector<16xi32>, vector<16xi32>], vector<16xf32>, vector<16xi1>
        %mul3A_598 = arith.constant 2 : i32
        %mul3A_599 = vector.broadcast %mul3A_598 : i32 to vector<16xi32>
        %mul3A_600 = arith.muli %mul3A_599, %min3A_541 : vector<16xi32>
        %add3A_601 = arith.constant 160 : i32
        %add3A_602 = vector.broadcast %add3A_601 : i32 to vector<16xi32>
        %add3A_603 = arith.addi %add3A_602, %mul3A_600 : vector<16xi32>
        %add3A_604 = arith.constant 1 : i32
        %add3A_605 = vector.broadcast %add3A_604 : i32 to vector<16xi32>
        %add3A_606 = arith.addi %add3A_603, %add3A_605 : vector<16xi32>
        %gather3A_607 = tpu.vector_load_idx %arg9[%broadcast_in_dim3A_331, %add3A_606] masked %lt3A_538 : memref<2x320xf32, #tpu.memory_space<vmem>>[vector<16xi32>, vector<16xi32>], vector<16xf32>, vector<16xi1>
        %broadcast_in_dim3A_608 = arith.constant 6 : i32
        %broadcast_in_dim3A_609 = vector.broadcast %broadcast_in_dim3A_608 : i32 to vector<16xi32>
        tpu.vector_store_idx %arg10[%broadcast_in_dim3A_543, %min3A_541, %broadcast_in_dim3A_609], %gather3A_607 masked %lt3A_538 : memref<3x40x128xf32, #tpu.memory_space<vmem>>[vector<16xi32>, vector<16xi32>, vector<16xi32>], vector<16xf32>, vector<16xi1>
        %mul3A_610 = arith.constant 2 : i32
        %mul3A_611 = vector.broadcast %mul3A_610 : i32 to vector<16xi32>
        %mul3A_612 = arith.muli %mul3A_611, %min3A_541 : vector<16xi32>
        %add3A_613 = arith.constant 240 : i32
        %add3A_614 = vector.broadcast %add3A_613 : i32 to vector<16xi32>
        %add3A_615 = arith.addi %add3A_614, %mul3A_612 : vector<16xi32>
        %add3A_616 = arith.constant 0 : i32
        %add3A_617 = vector.broadcast %add3A_616 : i32 to vector<16xi32>
        %add3A_618 = arith.addi %add3A_615, %add3A_617 : vector<16xi32>
        %gather3A_619 = tpu.vector_load_idx %arg9[%broadcast_in_dim3A_331, %add3A_618] masked %lt3A_538 : memref<2x320xf32, #tpu.memory_space<vmem>>[vector<16xi32>, vector<16xi32>], vector<16xf32>, vector<16xi1>
        %broadcast_in_dim3A_620 = arith.constant 7 : i32
        %broadcast_in_dim3A_621 = vector.broadcast %broadcast_in_dim3A_620 : i32 to vector<16xi32>
        tpu.vector_store_idx %arg10[%broadcast_in_dim3A_543, %min3A_541, %broadcast_in_dim3A_621], %gather3A_619 masked %lt3A_538 : memref<3x40x128xf32, #tpu.memory_space<vmem>>[vector<16xi32>, vector<16xi32>, vector<16xi32>], vector<16xf32>, vector<16xi1>
        %mul3A_622 = arith.constant 2 : i32
        %mul3A_623 = vector.broadcast %mul3A_622 : i32 to vector<16xi32>
        %mul3A_624 = arith.muli %mul3A_623, %min3A_541 : vector<16xi32>
        %add3A_625 = arith.constant 240 : i32
        %add3A_626 = vector.broadcast %add3A_625 : i32 to vector<16xi32>
        %add3A_627 = arith.addi %add3A_626, %mul3A_624 : vector<16xi32>
        %add3A_628 = arith.constant 1 : i32
        %add3A_629 = vector.broadcast %add3A_628 : i32 to vector<16xi32>
        %add3A_630 = arith.addi %add3A_627, %add3A_629 : vector<16xi32>
        %gather3A_631 = tpu.vector_load_idx %arg9[%broadcast_in_dim3A_331, %add3A_630] masked %lt3A_538 : memref<2x320xf32, #tpu.memory_space<vmem>>[vector<16xi32>, vector<16xi32>], vector<16xf32>, vector<16xi1>
        %broadcast_in_dim3A_632 = arith.constant 8 : i32
        %broadcast_in_dim3A_633 = vector.broadcast %broadcast_in_dim3A_632 : i32 to vector<16xi32>
        tpu.vector_store_idx %arg10[%broadcast_in_dim3A_543, %min3A_541, %broadcast_in_dim3A_633], %gather3A_631 masked %lt3A_538 : memref<3x40x128xf32, #tpu.memory_space<vmem>>[vector<16xi32>, vector<16xi32>, vector<16xi32>], vector<16xf32>, vector<16xi1>
        %lt3A_634 = arith.constant 7 : i32
        %lt3A_635 = vector.broadcast %lt3A_634 : i32 to vector<16xi32>
        %lt3A_636 = arith.cmpi slt, %iota3A, %lt3A_635 : vector<16xi32>
        %not3A = arith.constant dense<true> : vector<16xi1>
        %not3A_637 = arith.xori %lt3A_636, %not3A : vector<16xi1>
        %add3A_638 = arith.constant 121 : i32
        %add3A_639 = vector.broadcast %add3A_638 : i32 to vector<16xi32>
        %add3A_640 = arith.addi %iota3A, %add3A_639 : vector<16xi32>
        %sub3A = arith.constant 7 : i32
        %sub3A_641 = vector.broadcast %sub3A : i32 to vector<16xi32>
        %sub3A_642 = arith.subi %iota3A, %sub3A_641 : vector<16xi32>
        %select_n3A = arith.select %lt3A_636, %add3A_640, %sub3A_642 : vector<16xi1>, vector<16xi32>
        %scan3A_643 = arith.constant 0 : i32
        %scan3A_644 = arith.constant 0 : i32
        %scan3A_645 = arith.constant 40 : i32
        %scan3A_646 = arith.addi %scan3A_644, %scan3A_645 : i32
        %scan3A_647 = arith.constant 1 : i32
        scf.for %scan3A_711 = %scan3A_644 to %scan3A_646 step %scan3A_647  : i32 {
          %broadcast_in_dim3A_712 = vector.broadcast %scan3A_711 : i32 to vector<16xi32>
          %mul3A_713 = arith.constant 3 : i32
          %mul3A_714 = arith.muli %mul3A_713, %scan3A_711 : i32
          %add3A_715 = arith.constant 0 : i32
          %add3A_716 = arith.addi %mul3A_714, %add3A_715 : i32
          %get3A_717 = arith.index_cast %rem3A_251 : i32 to index
          %get3A_718 = arith.index_cast %add3A_716 : i32 to index
          %get3A_719 = arith.constant 0 : index
          %get3A_720 = tpu.vector_load %arg8[%get3A_717, %get3A_718, %get3A_719] {strides = array<i32>} : memref<2x128x128xf32, #tpu.memory_space<vmem>>, vector<16xf32>,
          %swap3A = arith.constant 0 : i32
          %swap3A_721 = arith.index_cast %swap3A : i32 to index
          %swap3A_722 = arith.index_cast %scan3A_711 : i32 to index
          %swap3A_723 = arith.constant 9 : index
          %swap3A_724 = tpu.vector_load %arg10[%swap3A_721, %swap3A_722, %swap3A_723] {strides = array<i32>} : memref<3x40x128xf32, #tpu.memory_space<vmem>>, vector<16xf32>,
          tpu.vector_store %arg10[%swap3A_721, %swap3A_722, %swap3A_723], %get3A_720 {strides = array<i32>} : memref<3x40x128xf32, #tpu.memory_space<vmem>>, vector<16xf32>,
          %mul3A_725 = arith.constant 3 : i32
          %mul3A_726 = arith.muli %mul3A_725, %scan3A_711 : i32
          %add3A_727 = arith.constant 0 : i32
          %add3A_728 = arith.addi %mul3A_726, %add3A_727 : i32
          %get3A_729 = arith.index_cast %rem3A_251 : i32 to index
          %get3A_730 = arith.index_cast %add3A_728 : i32 to index
          %get3A_731 = arith.constant 16 : index
          %get3A_732 = tpu.vector_load %arg8[%get3A_729, %get3A_730, %get3A_731] {strides = array<i32>} : memref<2x128x128xf32, #tpu.memory_space<vmem>>, vector<16xf32>,
          %swap3A_733 = arith.constant 0 : i32
          %swap3A_734 = arith.index_cast %swap3A_733 : i32 to index
          %swap3A_735 = arith.index_cast %scan3A_711 : i32 to index
          %swap3A_736 = arith.constant 25 : index
          %swap3A_737 = tpu.vector_load %arg10[%swap3A_734, %swap3A_735, %swap3A_736] {strides = array<i32>} : memref<3x40x128xf32, #tpu.memory_space<vmem>>, vector<16xf32>,
          tpu.vector_store %arg10[%swap3A_734, %swap3A_735, %swap3A_736], %get3A_732 {strides = array<i32>} : memref<3x40x128xf32, #tpu.memory_space<vmem>>, vector<16xf32>,
          %mul3A_738 = arith.constant 3 : i32
          %mul3A_739 = arith.muli %mul3A_738, %scan3A_711 : i32
          %add3A_740 = arith.constant 0 : i32
          %add3A_741 = arith.addi %mul3A_739, %add3A_740 : i32
          %get3A_742 = arith.index_cast %rem3A_251 : i32 to index
          %get3A_743 = arith.index_cast %add3A_741 : i32 to index
          %get3A_744 = arith.constant 32 : index
          %get3A_745 = tpu.vector_load %arg8[%get3A_742, %get3A_743, %get3A_744] {strides = array<i32>} : memref<2x128x128xf32, #tpu.memory_space<vmem>>, vector<16xf32>,
          %swap3A_746 = arith.constant 0 : i32
          %swap3A_747 = arith.index_cast %swap3A_746 : i32 to index
          %swap3A_748 = arith.index_cast %scan3A_711 : i32 to index
          %swap3A_749 = arith.constant 41 : index
          %swap3A_750 = tpu.vector_load %arg10[%swap3A_747, %swap3A_748, %swap3A_749] {strides = array<i32>} : memref<3x40x128xf32, #tpu.memory_space<vmem>>, vector<16xf32>,
          tpu.vector_store %arg10[%swap3A_747, %swap3A_748, %swap3A_749], %get3A_745 {strides = array<i32>} : memref<3x40x128xf32, #tpu.memory_space<vmem>>, vector<16xf32>,
          %mul3A_751 = arith.constant 3 : i32
          %mul3A_752 = arith.muli %mul3A_751, %scan3A_711 : i32
          %add3A_753 = arith.constant 0 : i32
          %add3A_754 = arith.addi %mul3A_752, %add3A_753 : i32
          %get3A_755 = arith.index_cast %rem3A_251 : i32 to index
          %get3A_756 = arith.index_cast %add3A_754 : i32 to index
          %get3A_757 = arith.constant 48 : index
          %get3A_758 = tpu.vector_load %arg8[%get3A_755, %get3A_756, %get3A_757] {strides = array<i32>} : memref<2x128x128xf32, #tpu.memory_space<vmem>>, vector<16xf32>,
          %swap3A_759 = arith.constant 0 : i32
          %swap3A_760 = arith.index_cast %swap3A_759 : i32 to index
          %swap3A_761 = arith.index_cast %scan3A_711 : i32 to index
          %swap3A_762 = arith.constant 57 : index
          %swap3A_763 = tpu.vector_load %arg10[%swap3A_760, %swap3A_761, %swap3A_762] {strides = array<i32>} : memref<3x40x128xf32, #tpu.memory_space<vmem>>, vector<16xf32>,
          tpu.vector_store %arg10[%swap3A_760, %swap3A_761, %swap3A_762], %get3A_758 {strides = array<i32>} : memref<3x40x128xf32, #tpu.memory_space<vmem>>, vector<16xf32>,
          %mul3A_764 = arith.constant 3 : i32
          %mul3A_765 = arith.muli %mul3A_764, %scan3A_711 : i32
          %add3A_766 = arith.constant 0 : i32
          %add3A_767 = arith.addi %mul3A_765, %add3A_766 : i32
          %get3A_768 = arith.index_cast %rem3A_251 : i32 to index
          %get3A_769 = arith.index_cast %add3A_767 : i32 to index
          %get3A_770 = arith.constant 64 : index
          %get3A_771 = tpu.vector_load %arg8[%get3A_768, %get3A_769, %get3A_770] {strides = array<i32>} : memref<2x128x128xf32, #tpu.memory_space<vmem>>, vector<16xf32>,
          %swap3A_772 = arith.constant 0 : i32
          %swap3A_773 = arith.index_cast %swap3A_772 : i32 to index
          %swap3A_774 = arith.index_cast %scan3A_711 : i32 to index
          %swap3A_775 = arith.constant 73 : index
          %swap3A_776 = tpu.vector_load %arg10[%swap3A_773, %swap3A_774, %swap3A_775] {strides = array<i32>} : memref<3x40x128xf32, #tpu.memory_space<vmem>>, vector<16xf32>,
          tpu.vector_store %arg10[%swap3A_773, %swap3A_774, %swap3A_775], %get3A_771 {strides = array<i32>} : memref<3x40x128xf32, #tpu.memory_space<vmem>>, vector<16xf32>,
          %mul3A_777 = arith.constant 3 : i32
          %mul3A_778 = arith.muli %mul3A_777, %scan3A_711 : i32
          %add3A_779 = arith.constant 0 : i32
          %add3A_780 = arith.addi %mul3A_778, %add3A_779 : i32
          %get3A_781 = arith.index_cast %rem3A_251 : i32 to index
          %get3A_782 = arith.index_cast %add3A_780 : i32 to index
          %get3A_783 = arith.constant 80 : index
          %get3A_784 = tpu.vector_load %arg8[%get3A_781, %get3A_782, %get3A_783] {strides = array<i32>} : memref<2x128x128xf32, #tpu.memory_space<vmem>>, vector<16xf32>,
          %swap3A_785 = arith.constant 0 : i32
          %swap3A_786 = arith.index_cast %swap3A_785 : i32 to index
          %swap3A_787 = arith.index_cast %scan3A_711 : i32 to index
          %swap3A_788 = arith.constant 89 : index
          %swap3A_789 = tpu.vector_load %arg10[%swap3A_786, %swap3A_787, %swap3A_788] {strides = array<i32>} : memref<3x40x128xf32, #tpu.memory_space<vmem>>, vector<16xf32>,
          tpu.vector_store %arg10[%swap3A_786, %swap3A_787, %swap3A_788], %get3A_784 {strides = array<i32>} : memref<3x40x128xf32, #tpu.memory_space<vmem>>, vector<16xf32>,
          %mul3A_790 = arith.constant 3 : i32
          %mul3A_791 = arith.muli %mul3A_790, %scan3A_711 : i32
          %add3A_792 = arith.constant 0 : i32
          %add3A_793 = arith.addi %mul3A_791, %add3A_792 : i32
          %get3A_794 = arith.index_cast %rem3A_251 : i32 to index
          %get3A_795 = arith.index_cast %add3A_793 : i32 to index
          %get3A_796 = arith.constant 96 : index
          %get3A_797 = tpu.vector_load %arg8[%get3A_794, %get3A_795, %get3A_796] {strides = array<i32>} : memref<2x128x128xf32, #tpu.memory_space<vmem>>, vector<16xf32>,
          %swap3A_798 = arith.constant 0 : i32
          %swap3A_799 = arith.index_cast %swap3A_798 : i32 to index
          %swap3A_800 = arith.index_cast %scan3A_711 : i32 to index
          %swap3A_801 = arith.constant 105 : index
          %swap3A_802 = tpu.vector_load %arg10[%swap3A_799, %swap3A_800, %swap3A_801] {strides = array<i32>} : memref<3x40x128xf32, #tpu.memory_space<vmem>>, vector<16xf32>,
          tpu.vector_store %arg10[%swap3A_799, %swap3A_800, %swap3A_801], %get3A_797 {strides = array<i32>} : memref<3x40x128xf32, #tpu.memory_space<vmem>>, vector<16xf32>,
          %mul3A_803 = arith.constant 3 : i32
          %mul3A_804 = arith.muli %mul3A_803, %scan3A_711 : i32
          %add3A_805 = arith.constant 0 : i32
          %add3A_806 = arith.addi %mul3A_804, %add3A_805 : i32
          %get3A_807 = arith.index_cast %rem3A_251 : i32 to index
          %get3A_808 = arith.index_cast %add3A_806 : i32 to index
          %get3A_809 = arith.constant 112 : index
          %get3A_810 = tpu.vector_load %arg8[%get3A_807, %get3A_808, %get3A_809] {strides = array<i32>} : memref<2x128x128xf32, #tpu.memory_space<vmem>>, vector<16xf32>,
          %jit3A = arith.constant 0 : i32
          %jit3A_811 = arith.constant 1 : i32
          %broadcast_in_dim3A_812 = vector.broadcast %jit3A : i32 to vector<16xi32>
          %broadcast_in_dim3A_813 = vector.broadcast %jit3A_811 : i32 to vector<16xi32>
          %select_n3A_814 = arith.select %lt3A_636, %broadcast_in_dim3A_812, %broadcast_in_dim3A_813 : vector<16xi1>, vector<16xi32>
          tpu.vector_store_idx %arg10[%select_n3A_814, %broadcast_in_dim3A_712, %select_n3A], %get3A_810 : memref<3x40x128xf32, #tpu.memory_space<vmem>>[vector<16xi32>, vector<16xi32>, vector<16xi32>], vector<16xf32>,
          %mul3A_815 = arith.constant 3 : i32
          %mul3A_816 = arith.muli %mul3A_815, %scan3A_711 : i32
          %add3A_817 = arith.constant 1 : i32
          %add3A_818 = arith.addi %mul3A_816, %add3A_817 : i32
          %get3A_819 = arith.index_cast %rem3A_251 : i32 to index
          %get3A_820 = arith.index_cast %add3A_818 : i32 to index
          %get3A_821 = arith.constant 0 : index
          %get3A_822 = tpu.vector_load %arg8[%get3A_819, %get3A_820, %get3A_821] {strides = array<i32>} : memref<2x128x128xf32, #tpu.memory_space<vmem>>, vector<16xf32>,
          %swap3A_823 = arith.constant 1 : i32
          %swap3A_824 = arith.index_cast %swap3A_823 : i32 to index
          %swap3A_825 = arith.index_cast %scan3A_711 : i32 to index
          %swap3A_826 = arith.constant 9 : index
          %swap3A_827 = tpu.vector_load %arg10[%swap3A_824, %swap3A_825, %swap3A_826] {strides = array<i32>} : memref<3x40x128xf32, #tpu.memory_space<vmem>>, vector<16xf32>,
          tpu.vector_store %arg10[%swap3A_824, %swap3A_825, %swap3A_826], %get3A_822 {strides = array<i32>} : memref<3x40x128xf32, #tpu.memory_space<vmem>>, vector<16xf32>,
          %mul3A_828 = arith.constant 3 : i32
          %mul3A_829 = arith.muli %mul3A_828, %scan3A_711 : i32
          %add3A_830 = arith.constant 1 : i32
          %add3A_831 = arith.addi %mul3A_829, %add3A_830 : i32
          %get3A_832 = arith.index_cast %rem3A_251 : i32 to index
          %get3A_833 = arith.index_cast %add3A_831 : i32 to index
          %get3A_834 = arith.constant 16 : index
          %get3A_835 = tpu.vector_load %arg8[%get3A_832, %get3A_833, %get3A_834] {strides = array<i32>} : memref<2x128x128xf32, #tpu.memory_space<vmem>>, vector<16xf32>,
          %swap3A_836 = arith.constant 1 : i32
          %swap3A_837 = arith.index_cast %swap3A_836 : i32 to index
          %swap3A_838 = arith.index_cast %scan3A_711 : i32 to index
          %swap3A_839 = arith.constant 25 : index
          %swap3A_840 = tpu.vector_load %arg10[%swap3A_837, %swap3A_838, %swap3A_839] {strides = array<i32>} : memref<3x40x128xf32, #tpu.memory_space<vmem>>, vector<16xf32>,
          tpu.vector_store %arg10[%swap3A_837, %swap3A_838, %swap3A_839], %get3A_835 {strides = array<i32>} : memref<3x40x128xf32, #tpu.memory_space<vmem>>, vector<16xf32>,
          %mul3A_841 = arith.constant 3 : i32
          %mul3A_842 = arith.muli %mul3A_841, %scan3A_711 : i32
          %add3A_843 = arith.constant 1 : i32
          %add3A_844 = arith.addi %mul3A_842, %add3A_843 : i32
          %get3A_845 = arith.index_cast %rem3A_251 : i32 to index
          %get3A_846 = arith.index_cast %add3A_844 : i32 to index
          %get3A_847 = arith.constant 32 : index
          %get3A_848 = tpu.vector_load %arg8[%get3A_845, %get3A_846, %get3A_847] {strides = array<i32>} : memref<2x128x128xf32, #tpu.memory_space<vmem>>, vector<16xf32>,
          %swap3A_849 = arith.constant 1 : i32
          %swap3A_850 = arith.index_cast %swap3A_849 : i32 to index
          %swap3A_851 = arith.index_cast %scan3A_711 : i32 to index
          %swap3A_852 = arith.constant 41 : index
          %swap3A_853 = tpu.vector_load %arg10[%swap3A_850, %swap3A_851, %swap3A_852] {strides = array<i32>} : memref<3x40x128xf32, #tpu.memory_space<vmem>>, vector<16xf32>,
          tpu.vector_store %arg10[%swap3A_850, %swap3A_851, %swap3A_852], %get3A_848 {strides = array<i32>} : memref<3x40x128xf32, #tpu.memory_space<vmem>>, vector<16xf32>,
          %mul3A_854 = arith.constant 3 : i32
          %mul3A_855 = arith.muli %mul3A_854, %scan3A_711 : i32
          %add3A_856 = arith.constant 1 : i32
          %add3A_857 = arith.addi %mul3A_855, %add3A_856 : i32
          %get3A_858 = arith.index_cast %rem3A_251 : i32 to index
          %get3A_859 = arith.index_cast %add3A_857 : i32 to index
          %get3A_860 = arith.constant 48 : index
          %get3A_861 = tpu.vector_load %arg8[%get3A_858, %get3A_859, %get3A_860] {strides = array<i32>} : memref<2x128x128xf32, #tpu.memory_space<vmem>>, vector<16xf32>,
          %swap3A_862 = arith.constant 1 : i32
          %swap3A_863 = arith.index_cast %swap3A_862 : i32 to index
          %swap3A_864 = arith.index_cast %scan3A_711 : i32 to index
          %swap3A_865 = arith.constant 57 : index
          %swap3A_866 = tpu.vector_load %arg10[%swap3A_863, %swap3A_864, %swap3A_865] {strides = array<i32>} : memref<3x40x128xf32, #tpu.memory_space<vmem>>, vector<16xf32>,
          tpu.vector_store %arg10[%swap3A_863, %swap3A_864, %swap3A_865], %get3A_861 {strides = array<i32>} : memref<3x40x128xf32, #tpu.memory_space<vmem>>, vector<16xf32>,
          %mul3A_867 = arith.constant 3 : i32
          %mul3A_868 = arith.muli %mul3A_867, %scan3A_711 : i32
          %add3A_869 = arith.constant 1 : i32
          %add3A_870 = arith.addi %mul3A_868, %add3A_869 : i32
          %get3A_871 = arith.index_cast %rem3A_251 : i32 to index
          %get3A_872 = arith.index_cast %add3A_870 : i32 to index
          %get3A_873 = arith.constant 64 : index
          %get3A_874 = tpu.vector_load %arg8[%get3A_871, %get3A_872, %get3A_873] {strides = array<i32>} : memref<2x128x128xf32, #tpu.memory_space<vmem>>, vector<16xf32>,
          %swap3A_875 = arith.constant 1 : i32
          %swap3A_876 = arith.index_cast %swap3A_875 : i32 to index
          %swap3A_877 = arith.index_cast %scan3A_711 : i32 to index
          %swap3A_878 = arith.constant 73 : index
          %swap3A_879 = tpu.vector_load %arg10[%swap3A_876, %swap3A_877, %swap3A_878] {strides = array<i32>} : memref<3x40x128xf32, #tpu.memory_space<vmem>>, vector<16xf32>,
          tpu.vector_store %arg10[%swap3A_876, %swap3A_877, %swap3A_878], %get3A_874 {strides = array<i32>} : memref<3x40x128xf32, #tpu.memory_space<vmem>>, vector<16xf32>,
          %mul3A_880 = arith.constant 3 : i32
          %mul3A_881 = arith.muli %mul3A_880, %scan3A_711 : i32
          %add3A_882 = arith.constant 1 : i32
          %add3A_883 = arith.addi %mul3A_881, %add3A_882 : i32
          %get3A_884 = arith.index_cast %rem3A_251 : i32 to index
          %get3A_885 = arith.index_cast %add3A_883 : i32 to index
          %get3A_886 = arith.constant 80 : index
          %get3A_887 = tpu.vector_load %arg8[%get3A_884, %get3A_885, %get3A_886] {strides = array<i32>} : memref<2x128x128xf32, #tpu.memory_space<vmem>>, vector<16xf32>,
          %swap3A_888 = arith.constant 1 : i32
          %swap3A_889 = arith.index_cast %swap3A_888 : i32 to index
          %swap3A_890 = arith.index_cast %scan3A_711 : i32 to index
          %swap3A_891 = arith.constant 89 : index
          %swap3A_892 = tpu.vector_load %arg10[%swap3A_889, %swap3A_890, %swap3A_891] {strides = array<i32>} : memref<3x40x128xf32, #tpu.memory_space<vmem>>, vector<16xf32>,
          tpu.vector_store %arg10[%swap3A_889, %swap3A_890, %swap3A_891], %get3A_887 {strides = array<i32>} : memref<3x40x128xf32, #tpu.memory_space<vmem>>, vector<16xf32>,
          %mul3A_893 = arith.constant 3 : i32
          %mul3A_894 = arith.muli %mul3A_893, %scan3A_711 : i32
          %add3A_895 = arith.constant 1 : i32
          %add3A_896 = arith.addi %mul3A_894, %add3A_895 : i32
          %get3A_897 = arith.index_cast %rem3A_251 : i32 to index
          %get3A_898 = arith.index_cast %add3A_896 : i32 to index
          %get3A_899 = arith.constant 96 : index
          %get3A_900 = tpu.vector_load %arg8[%get3A_897, %get3A_898, %get3A_899] {strides = array<i32>} : memref<2x128x128xf32, #tpu.memory_space<vmem>>, vector<16xf32>,
          %swap3A_901 = arith.constant 1 : i32
          %swap3A_902 = arith.index_cast %swap3A_901 : i32 to index
          %swap3A_903 = arith.index_cast %scan3A_711 : i32 to index
          %swap3A_904 = arith.constant 105 : index
          %swap3A_905 = tpu.vector_load %arg10[%swap3A_902, %swap3A_903, %swap3A_904] {strides = array<i32>} : memref<3x40x128xf32, #tpu.memory_space<vmem>>, vector<16xf32>,
          tpu.vector_store %arg10[%swap3A_902, %swap3A_903, %swap3A_904], %get3A_900 {strides = array<i32>} : memref<3x40x128xf32, #tpu.memory_space<vmem>>, vector<16xf32>,
          %mul3A_906 = arith.constant 3 : i32
          %mul3A_907 = arith.muli %mul3A_906, %scan3A_711 : i32
          %add3A_908 = arith.constant 1 : i32
          %add3A_909 = arith.addi %mul3A_907, %add3A_908 : i32
          %get3A_910 = arith.index_cast %rem3A_251 : i32 to index
          %get3A_911 = arith.index_cast %add3A_909 : i32 to index
          %get3A_912 = arith.constant 112 : index
          %get3A_913 = tpu.vector_load %arg8[%get3A_910, %get3A_911, %get3A_912] {strides = array<i32>} : memref<2x128x128xf32, #tpu.memory_space<vmem>>, vector<16xf32>,
          %jit3A_914 = arith.constant 1 : i32
          %jit3A_915 = arith.constant 2 : i32
          %broadcast_in_dim3A_916 = vector.broadcast %jit3A_914 : i32 to vector<16xi32>
          %broadcast_in_dim3A_917 = vector.broadcast %jit3A_915 : i32 to vector<16xi32>
          %select_n3A_918 = arith.select %lt3A_636, %broadcast_in_dim3A_916, %broadcast_in_dim3A_917 : vector<16xi1>, vector<16xi32>
          tpu.vector_store_idx %arg10[%select_n3A_918, %broadcast_in_dim3A_712, %select_n3A], %get3A_913 : memref<3x40x128xf32, #tpu.memory_space<vmem>>[vector<16xi32>, vector<16xi32>, vector<16xi32>], vector<16xf32>,
          %mul3A_919 = arith.constant 3 : i32
          %mul3A_920 = arith.muli %mul3A_919, %scan3A_711 : i32
          %add3A_921 = arith.constant 2 : i32
          %add3A_922 = arith.addi %mul3A_920, %add3A_921 : i32
          %get3A_923 = arith.index_cast %rem3A_251 : i32 to index
          %get3A_924 = arith.index_cast %add3A_922 : i32 to index
          %get3A_925 = arith.constant 0 : index
          %get3A_926 = tpu.vector_load %arg8[%get3A_923, %get3A_924, %get3A_925] {strides = array<i32>} : memref<2x128x128xf32, #tpu.memory_space<vmem>>, vector<16xf32>,
          %swap3A_927 = arith.constant 2 : i32
          %swap3A_928 = arith.index_cast %swap3A_927 : i32 to index
          %swap3A_929 = arith.index_cast %scan3A_711 : i32 to index
          %swap3A_930 = arith.constant 9 : index
          %swap3A_931 = tpu.vector_load %arg10[%swap3A_928, %swap3A_929, %swap3A_930] {strides = array<i32>} : memref<3x40x128xf32, #tpu.memory_space<vmem>>, vector<16xf32>,
          tpu.vector_store %arg10[%swap3A_928, %swap3A_929, %swap3A_930], %get3A_926 {strides = array<i32>} : memref<3x40x128xf32, #tpu.memory_space<vmem>>, vector<16xf32>,
          %mul3A_932 = arith.constant 3 : i32
          %mul3A_933 = arith.muli %mul3A_932, %scan3A_711 : i32
          %add3A_934 = arith.constant 2 : i32
          %add3A_935 = arith.addi %mul3A_933, %add3A_934 : i32
          %get3A_936 = arith.index_cast %rem3A_251 : i32 to index
          %get3A_937 = arith.index_cast %add3A_935 : i32 to index
          %get3A_938 = arith.constant 16 : index
          %get3A_939 = tpu.vector_load %arg8[%get3A_936, %get3A_937, %get3A_938] {strides = array<i32>} : memref<2x128x128xf32, #tpu.memory_space<vmem>>, vector<16xf32>,
          %swap3A_940 = arith.constant 2 : i32
          %swap3A_941 = arith.index_cast %swap3A_940 : i32 to index
          %swap3A_942 = arith.index_cast %scan3A_711 : i32 to index
          %swap3A_943 = arith.constant 25 : index
          %swap3A_944 = tpu.vector_load %arg10[%swap3A_941, %swap3A_942, %swap3A_943] {strides = array<i32>} : memref<3x40x128xf32, #tpu.memory_space<vmem>>, vector<16xf32>,
          tpu.vector_store %arg10[%swap3A_941, %swap3A_942, %swap3A_943], %get3A_939 {strides = array<i32>} : memref<3x40x128xf32, #tpu.memory_space<vmem>>, vector<16xf32>,
          %mul3A_945 = arith.constant 3 : i32
          %mul3A_946 = arith.muli %mul3A_945, %scan3A_711 : i32
          %add3A_947 = arith.constant 2 : i32
          %add3A_948 = arith.addi %mul3A_946, %add3A_947 : i32
          %get3A_949 = arith.index_cast %rem3A_251 : i32 to index
          %get3A_950 = arith.index_cast %add3A_948 : i32 to index
          %get3A_951 = arith.constant 32 : index
          %get3A_952 = tpu.vector_load %arg8[%get3A_949, %get3A_950, %get3A_951] {strides = array<i32>} : memref<2x128x128xf32, #tpu.memory_space<vmem>>, vector<16xf32>,
          %swap3A_953 = arith.constant 2 : i32
          %swap3A_954 = arith.index_cast %swap3A_953 : i32 to index
          %swap3A_955 = arith.index_cast %scan3A_711 : i32 to index
          %swap3A_956 = arith.constant 41 : index
          %swap3A_957 = tpu.vector_load %arg10[%swap3A_954, %swap3A_955, %swap3A_956] {strides = array<i32>} : memref<3x40x128xf32, #tpu.memory_space<vmem>>, vector<16xf32>,
          tpu.vector_store %arg10[%swap3A_954, %swap3A_955, %swap3A_956], %get3A_952 {strides = array<i32>} : memref<3x40x128xf32, #tpu.memory_space<vmem>>, vector<16xf32>,
          %mul3A_958 = arith.constant 3 : i32
          %mul3A_959 = arith.muli %mul3A_958, %scan3A_711 : i32
          %add3A_960 = arith.constant 2 : i32
          %add3A_961 = arith.addi %mul3A_959, %add3A_960 : i32
          %get3A_962 = arith.index_cast %rem3A_251 : i32 to index
          %get3A_963 = arith.index_cast %add3A_961 : i32 to index
          %get3A_964 = arith.constant 48 : index
          %get3A_965 = tpu.vector_load %arg8[%get3A_962, %get3A_963, %get3A_964] {strides = array<i32>} : memref<2x128x128xf32, #tpu.memory_space<vmem>>, vector<16xf32>,
          %swap3A_966 = arith.constant 2 : i32
          %swap3A_967 = arith.index_cast %swap3A_966 : i32 to index
          %swap3A_968 = arith.index_cast %scan3A_711 : i32 to index
          %swap3A_969 = arith.constant 57 : index
          %swap3A_970 = tpu.vector_load %arg10[%swap3A_967, %swap3A_968, %swap3A_969] {strides = array<i32>} : memref<3x40x128xf32, #tpu.memory_space<vmem>>, vector<16xf32>,
          tpu.vector_store %arg10[%swap3A_967, %swap3A_968, %swap3A_969], %get3A_965 {strides = array<i32>} : memref<3x40x128xf32, #tpu.memory_space<vmem>>, vector<16xf32>,
          %mul3A_971 = arith.constant 3 : i32
          %mul3A_972 = arith.muli %mul3A_971, %scan3A_711 : i32
          %add3A_973 = arith.constant 2 : i32
          %add3A_974 = arith.addi %mul3A_972, %add3A_973 : i32
          %get3A_975 = arith.index_cast %rem3A_251 : i32 to index
          %get3A_976 = arith.index_cast %add3A_974 : i32 to index
          %get3A_977 = arith.constant 64 : index
          %get3A_978 = tpu.vector_load %arg8[%get3A_975, %get3A_976, %get3A_977] {strides = array<i32>} : memref<2x128x128xf32, #tpu.memory_space<vmem>>, vector<16xf32>,
          %swap3A_979 = arith.constant 2 : i32
          %swap3A_980 = arith.index_cast %swap3A_979 : i32 to index
          %swap3A_981 = arith.index_cast %scan3A_711 : i32 to index
          %swap3A_982 = arith.constant 73 : index
          %swap3A_983 = tpu.vector_load %arg10[%swap3A_980, %swap3A_981, %swap3A_982] {strides = array<i32>} : memref<3x40x128xf32, #tpu.memory_space<vmem>>, vector<16xf32>,
          tpu.vector_store %arg10[%swap3A_980, %swap3A_981, %swap3A_982], %get3A_978 {strides = array<i32>} : memref<3x40x128xf32, #tpu.memory_space<vmem>>, vector<16xf32>,
          %mul3A_984 = arith.constant 3 : i32
          %mul3A_985 = arith.muli %mul3A_984, %scan3A_711 : i32
          %add3A_986 = arith.constant 2 : i32
          %add3A_987 = arith.addi %mul3A_985, %add3A_986 : i32
          %get3A_988 = arith.index_cast %rem3A_251 : i32 to index
          %get3A_989 = arith.index_cast %add3A_987 : i32 to index
          %get3A_990 = arith.constant 80 : index
          %get3A_991 = tpu.vector_load %arg8[%get3A_988, %get3A_989, %get3A_990] {strides = array<i32>} : memref<2x128x128xf32, #tpu.memory_space<vmem>>, vector<16xf32>,
          %swap3A_992 = arith.constant 2 : i32
          %swap3A_993 = arith.index_cast %swap3A_992 : i32 to index
          %swap3A_994 = arith.index_cast %scan3A_711 : i32 to index
          %swap3A_995 = arith.constant 89 : index
          %swap3A_996 = tpu.vector_load %arg10[%swap3A_993, %swap3A_994, %swap3A_995] {strides = array<i32>} : memref<3x40x128xf32, #tpu.memory_space<vmem>>, vector<16xf32>,
          tpu.vector_store %arg10[%swap3A_993, %swap3A_994, %swap3A_995], %get3A_991 {strides = array<i32>} : memref<3x40x128xf32, #tpu.memory_space<vmem>>, vector<16xf32>,
          %mul3A_997 = arith.constant 3 : i32
          %mul3A_998 = arith.muli %mul3A_997, %scan3A_711 : i32
          %add3A_999 = arith.constant 2 : i32
          %add3A_1000 = arith.addi %mul3A_998, %add3A_999 : i32
          %get3A_1001 = arith.index_cast %rem3A_251 : i32 to index
          %get3A_1002 = arith.index_cast %add3A_1000 : i32 to index
          %get3A_1003 = arith.constant 96 : index
          %get3A_1004 = tpu.vector_load %arg8[%get3A_1001, %get3A_1002, %get3A_1003] {strides = array<i32>} : memref<2x128x128xf32, #tpu.memory_space<vmem>>, vector<16xf32>,
          %swap3A_1005 = arith.constant 2 : i32
          %swap3A_1006 = arith.index_cast %swap3A_1005 : i32 to index
          %swap3A_1007 = arith.index_cast %scan3A_711 : i32 to index
          %swap3A_1008 = arith.constant 105 : index
          %swap3A_1009 = tpu.vector_load %arg10[%swap3A_1006, %swap3A_1007, %swap3A_1008] {strides = array<i32>} : memref<3x40x128xf32, #tpu.memory_space<vmem>>, vector<16xf32>,
          tpu.vector_store %arg10[%swap3A_1006, %swap3A_1007, %swap3A_1008], %get3A_1004 {strides = array<i32>} : memref<3x40x128xf32, #tpu.memory_space<vmem>>, vector<16xf32>,
          %mul3A_1010 = arith.constant 3 : i32
          %mul3A_1011 = arith.muli %mul3A_1010, %scan3A_711 : i32
          %add3A_1012 = arith.constant 2 : i32
          %add3A_1013 = arith.addi %mul3A_1011, %add3A_1012 : i32
          %get3A_1014 = arith.index_cast %rem3A_251 : i32 to index
          %get3A_1015 = arith.index_cast %add3A_1013 : i32 to index
          %get3A_1016 = arith.constant 112 : index
          %get3A_1017 = tpu.vector_load %arg8[%get3A_1014, %get3A_1015, %get3A_1016] {strides = array<i32>} : memref<2x128x128xf32, #tpu.memory_space<vmem>>, vector<16xf32>,
          %broadcast_in_dim3A_1018 = arith.constant 2 : i32
          %broadcast_in_dim3A_1019 = vector.broadcast %broadcast_in_dim3A_1018 : i32 to vector<16xi32>
          tpu.vector_store_idx %arg10[%broadcast_in_dim3A_1019, %broadcast_in_dim3A_712, %add3A_640], %get3A_1017 masked %lt3A_636 : memref<3x40x128xf32, #tpu.memory_space<vmem>>[vector<16xi32>, vector<16xi32>, vector<16xi32>], vector<16xf32>, vector<16xi1>
          tpu.vector_store_idx %arg11[%broadcast_in_dim3A_712, %sub3A_642], %get3A_1017 masked %not3A_637 : memref<40x9xf32, #tpu.memory_space<vmem>>[vector<16xi32>, vector<16xi32>], vector<16xf32>, vector<16xi1>
        }
        %scan3A_648 = arith.constant 40 : i32
        %dma_start3A_649 = arith.constant 0 : i32
        %dma_start3A_650 = arith.constant 0 : i32
        %dma_start3A_651 = arith.constant 0 : i32
        %dma_start3A_652 = arith.constant 0 : i32
        %dma_start3A_653 = tpu.memref_slice %arg10[%dma_start3A_649, %dma_start3A_651, %dma_start3A_652] : memref<3x40x128xf32, #tpu.memory_space<vmem>> -> memref<1x40x128xf32, #tpu.memory_space<vmem>>
        %dma_start3A_654 = tpu.memref_squeeze %dma_start3A_653 : memref<1x40x128xf32, #tpu.memory_space<vmem>> -> memref<40x128xf32, #tpu.memory_space<vmem>>
        %dma_start3A_655 = arith.constant 0 : i32
        %dma_start3A_656 = tpu.memref_slice %arg6[%dma_start3A_650, %mul3A_260, %dma_start3A_655] : memref<1x200000x393xf32, #tpu.memory_space<hbm>> -> memref<1x40x128xf32, #tpu.memory_space<hbm>>
        %dma_start3A_657 = tpu.memref_squeeze %dma_start3A_656 : memref<1x40x128xf32, #tpu.memory_space<hbm>> -> memref<40x128xf32, #tpu.memory_space<hbm>>
        %dma_start3A_658 = arith.constant 0 : i32
        %dma_start3A_659 = tpu.memref_slice %arg6[%dma_start3A_650, %mul3A_260, %dma_start3A_658] : memref<1x200000x393xf32, #tpu.memory_space<hbm>> -> memref<1x40x128xf32, #tpu.memory_space<hbm>>
        %dma_start3A_660 = tpu.memref_squeeze %dma_start3A_659 : memref<1x40x128xf32, #tpu.memory_space<hbm>> -> memref<40x128xf32, #tpu.memory_space<hbm>>
        %dma_start3A_661 = arith.constant 0 : i32
        %dma_start3A_662 = arith.constant 0 : i32
        %dma_start3A_663 = tpu.memref_slice %arg10[%dma_start3A_649, %dma_start3A_661, %dma_start3A_662] : memref<3x40x128xf32, #tpu.memory_space<vmem>> -> memref<1x40x128xf32, #tpu.memory_space<vmem>>
        %dma_start3A_664 = tpu.memref_squeeze %dma_start3A_663 : memref<1x40x128xf32, #tpu.memory_space<vmem>> -> memref<40x128xf32, #tpu.memory_space<vmem>>
        tpu.enqueue_dma source(%dma_start3A_664 : memref<40x128xf32, #tpu.memory_space<vmem>>) target(%dma_start3A_660 : memref<40x128xf32, #tpu.memory_space<hbm>>) target_semaphore(%arg15 : memref<!tpu.dma_semaphore, #tpu.memory_space<semaphore_mem>>)
        %dma_start3A_665 = arith.constant 1 : i32
        %dma_start3A_666 = arith.constant 0 : i32
        %dma_start3A_667 = arith.constant 0 : i32
        %dma_start3A_668 = arith.constant 0 : i32
        %dma_start3A_669 = tpu.memref_slice %arg10[%dma_start3A_665, %dma_start3A_667, %dma_start3A_668] : memref<3x40x128xf32, #tpu.memory_space<vmem>> -> memref<1x40x128xf32, #tpu.memory_space<vmem>>
        %dma_start3A_670 = tpu.memref_squeeze %dma_start3A_669 : memref<1x40x128xf32, #tpu.memory_space<vmem>> -> memref<40x128xf32, #tpu.memory_space<vmem>>
        %dma_start3A_671 = arith.constant 128 : i32
        %dma_start3A_672 = tpu.memref_slice %arg6[%dma_start3A_666, %mul3A_260, %dma_start3A_671] : memref<1x200000x393xf32, #tpu.memory_space<hbm>> -> memref<1x40x128xf32, #tpu.memory_space<hbm>>
        %dma_start3A_673 = tpu.memref_squeeze %dma_start3A_672 : memref<1x40x128xf32, #tpu.memory_space<hbm>> -> memref<40x128xf32, #tpu.memory_space<hbm>>
        %dma_start3A_674 = arith.constant 128 : i32
        %dma_start3A_675 = tpu.memref_slice %arg6[%dma_start3A_666, %mul3A_260, %dma_start3A_674] : memref<1x200000x393xf32, #tpu.memory_space<hbm>> -> memref<1x40x128xf32, #tpu.memory_space<hbm>>
        %dma_start3A_676 = tpu.memref_squeeze %dma_start3A_675 : memref<1x40x128xf32, #tpu.memory_space<hbm>> -> memref<40x128xf32, #tpu.memory_space<hbm>>
        %dma_start3A_677 = arith.constant 0 : i32
        %dma_start3A_678 = arith.constant 0 : i32
        %dma_start3A_679 = tpu.memref_slice %arg10[%dma_start3A_665, %dma_start3A_677, %dma_start3A_678] : memref<3x40x128xf32, #tpu.memory_space<vmem>> -> memref<1x40x128xf32, #tpu.memory_space<vmem>>
        %dma_start3A_680 = tpu.memref_squeeze %dma_start3A_679 : memref<1x40x128xf32, #tpu.memory_space<vmem>> -> memref<40x128xf32, #tpu.memory_space<vmem>>
        tpu.enqueue_dma source(%dma_start3A_680 : memref<40x128xf32, #tpu.memory_space<vmem>>) target(%dma_start3A_676 : memref<40x128xf32, #tpu.memory_space<hbm>>) target_semaphore(%arg15 : memref<!tpu.dma_semaphore, #tpu.memory_space<semaphore_mem>>)
        %dma_start3A_681 = arith.constant 2 : i32
        %dma_start3A_682 = arith.constant 0 : i32
        %dma_start3A_683 = arith.constant 0 : i32
        %dma_start3A_684 = arith.constant 0 : i32
        %dma_start3A_685 = tpu.memref_slice %arg10[%dma_start3A_681, %dma_start3A_683, %dma_start3A_684] : memref<3x40x128xf32, #tpu.memory_space<vmem>> -> memref<1x40x128xf32, #tpu.memory_space<vmem>>
        %dma_start3A_686 = tpu.memref_squeeze %dma_start3A_685 : memref<1x40x128xf32, #tpu.memory_space<vmem>> -> memref<40x128xf32, #tpu.memory_space<vmem>>
        %dma_start3A_687 = arith.constant 256 : i32
        %dma_start3A_688 = tpu.memref_slice %arg6[%dma_start3A_682, %mul3A_260, %dma_start3A_687] : memref<1x200000x393xf32, #tpu.memory_space<hbm>> -> memref<1x40x128xf32, #tpu.memory_space<hbm>>
        %dma_start3A_689 = tpu.memref_squeeze %dma_start3A_688 : memref<1x40x128xf32, #tpu.memory_space<hbm>> -> memref<40x128xf32, #tpu.memory_space<hbm>>
        %dma_start3A_690 = arith.constant 256 : i32
        %dma_start3A_691 = tpu.memref_slice %arg6[%dma_start3A_682, %mul3A_260, %dma_start3A_690] : memref<1x200000x393xf32, #tpu.memory_space<hbm>> -> memref<1x40x128xf32, #tpu.memory_space<hbm>>
        %dma_start3A_692 = tpu.memref_squeeze %dma_start3A_691 : memref<1x40x128xf32, #tpu.memory_space<hbm>> -> memref<40x128xf32, #tpu.memory_space<hbm>>
        %dma_start3A_693 = arith.constant 0 : i32
        %dma_start3A_694 = arith.constant 0 : i32
        %dma_start3A_695 = tpu.memref_slice %arg10[%dma_start3A_681, %dma_start3A_693, %dma_start3A_694] : memref<3x40x128xf32, #tpu.memory_space<vmem>> -> memref<1x40x128xf32, #tpu.memory_space<vmem>>
        %dma_start3A_696 = tpu.memref_squeeze %dma_start3A_695 : memref<1x40x128xf32, #tpu.memory_space<vmem>> -> memref<40x128xf32, #tpu.memory_space<vmem>>
        tpu.enqueue_dma source(%dma_start3A_696 : memref<40x128xf32, #tpu.memory_space<vmem>>) target(%dma_start3A_692 : memref<40x128xf32, #tpu.memory_space<hbm>>) target_semaphore(%arg15 : memref<!tpu.dma_semaphore, #tpu.memory_space<semaphore_mem>>)
        %dma_start3A_697 = arith.constant 0 : i32
        %dma_start3A_698 = arith.constant 384 : i32
        %dma_start3A_699 = tpu.memref_slice %arg6[%dma_start3A_697, %mul3A_260, %dma_start3A_698] : memref<1x200000x393xf32, #tpu.memory_space<hbm>> -> memref<1x40x9xf32, #tpu.memory_space<hbm>>
        %dma_start3A_700 = tpu.memref_squeeze %dma_start3A_699 : memref<1x40x9xf32, #tpu.memory_space<hbm>> -> memref<40x9xf32, #tpu.memory_space<hbm>>
        %dma_start3A_701 = arith.constant 384 : i32
        %dma_start3A_702 = tpu.memref_slice %arg6[%dma_start3A_697, %mul3A_260, %dma_start3A_701] : memref<1x200000x393xf32, #tpu.memory_space<hbm>> -> memref<1x40x9xf32, #tpu.memory_space<hbm>>
        %dma_start3A_703 = tpu.memref_squeeze %dma_start3A_702 : memref<1x40x9xf32, #tpu.memory_space<hbm>> -> memref<40x9xf32, #tpu.memory_space<hbm>>
        tpu.enqueue_dma source(%arg11 : memref<40x9xf32, #tpu.memory_space<vmem>>) target(%dma_start3A_703 : memref<40x9xf32, #tpu.memory_space<hbm>>) target_semaphore(%arg15 : memref<!tpu.dma_semaphore, #tpu.memory_space<semaphore_mem>>)
        %add3A_704 = arith.constant 64 : i32
        %add3A_705 = arith.addi %add3A_258, %add3A_704 : i32
        %lt3A_706 = arith.constant 5000 : i32
        %lt3A_707 = arith.cmpi slt, %add3A_705, %lt3A_706 : i32
        %convert_element_type3A_708 = arith.extui %lt3A_707 : i1 to i32
        %cond3A_709 = arith.constant 0 : i32
        %cond3A_710 = arith.cmpi ne, %convert_element_type3A_708, %cond3A_709 : i32
        scf.if %cond3A_710 {
          %add3A_711 = arith.constant 64 : i32
          %add3A_712 = arith.addi %add3A_258, %add3A_711 : i32
          %dma_start3A_713 = arith.constant 0 : i32
          %dma_start3A_714 = arith.constant 0 : i32
          %dma_start3A_715 = tpu.memref_slice %arg7[%rem3A_251, %dma_start3A_713, %dma_start3A_714] : memref<2x4x32xi32, #tpu.memory_space<vmem>> -> memref<1x4x32xi32, #tpu.memory_space<vmem>>
          %dma_start3A_716 = tpu.memref_squeeze %dma_start3A_715 : memref<1x4x32xi32, #tpu.memory_space<vmem>> -> memref<4x32xi32, #tpu.memory_space<vmem>>
          %dma_start3A_717 = arith.constant 0 : i32
          %dma_start3A_718 = arith.constant 0 : i32
          %dma_start3A_719 = tpu.memref_slice %arg5[%add3A_712, %dma_start3A_717, %dma_start3A_718] : memref<5000x4x32xi32, #tpu.memory_space<hbm>> -> memref<1x4x32xi32, #tpu.memory_space<hbm>>
          %dma_start3A_720 = tpu.memref_squeeze %dma_start3A_719 : memref<1x4x32xi32, #tpu.memory_space<hbm>> -> memref<4x32xi32, #tpu.memory_space<hbm>>
          %dma_start3A_721 = arith.constant 0 : i32
          %dma_start3A_722 = arith.constant 0 : i32
          %dma_start3A_723 = tpu.memref_slice %arg7[%rem3A_251, %dma_start3A_721, %dma_start3A_722] : memref<2x4x32xi32, #tpu.memory_space<vmem>> -> memref<1x4x32xi32, #tpu.memory_space<vmem>>
          %dma_start3A_724 = tpu.memref_squeeze %dma_start3A_723 : memref<1x4x32xi32, #tpu.memory_space<vmem>> -> memref<4x32xi32, #tpu.memory_space<vmem>>
          %dma_start3A_725 = arith.constant 0 : i32
          %dma_start3A_726 = arith.constant 0 : i32
          %dma_start3A_727 = tpu.memref_slice %arg5[%add3A_712, %dma_start3A_725, %dma_start3A_726] : memref<5000x4x32xi32, #tpu.memory_space<hbm>> -> memref<1x4x32xi32, #tpu.memory_space<hbm>>
          %dma_start3A_728 = tpu.memref_squeeze %dma_start3A_727 : memref<1x4x32xi32, #tpu.memory_space<hbm>> -> memref<4x32xi32, #tpu.memory_space<hbm>>
          tpu.enqueue_dma source(%dma_start3A_728 : memref<4x32xi32, #tpu.memory_space<hbm>>) target(%dma_start3A_724 : memref<4x32xi32, #tpu.memory_space<vmem>>) target_semaphore(%arg13 : memref<!tpu.dma_semaphore, #tpu.memory_space<semaphore_mem>>)
          %dma_start3A_729 = arith.constant 0 : i32
          %dma_start3A_730 = tpu.memref_slice %arg9[%rem3A_251, %dma_start3A_729] : memref<2x320xf32, #tpu.memory_space<vmem>> -> memref<1x320xf32, #tpu.memory_space<vmem>>
          %dma_start3A_731 = tpu.memref_squeeze %dma_start3A_730 : memref<1x320xf32, #tpu.memory_space<vmem>> -> memref<320xf32, #tpu.memory_space<vmem>>
          %dma_start3A_732 = arith.constant 0 : i32
          %dma_start3A_733 = tpu.memref_slice %arg4[%add3A_712, %dma_start3A_732] : memref<5000x320xf32, #tpu.memory_space<hbm>> -> memref<1x320xf32, #tpu.memory_space<hbm>>
          %dma_start3A_734 = tpu.memref_squeeze %dma_start3A_733 : memref<1x320xf32, #tpu.memory_space<hbm>> -> memref<320xf32, #tpu.memory_space<hbm>>
          %dma_start3A_735 = arith.constant 0 : i32
          %dma_start3A_736 = tpu.memref_slice %arg9[%rem3A_251, %dma_start3A_735] : memref<2x320xf32, #tpu.memory_space<vmem>> -> memref<1x320xf32, #tpu.memory_space<vmem>>
          %dma_start3A_737 = tpu.memref_squeeze %dma_start3A_736 : memref<1x320xf32, #tpu.memory_space<vmem>> -> memref<320xf32, #tpu.memory_space<vmem>>
          %dma_start3A_738 = arith.constant 0 : i32
          %dma_start3A_739 = tpu.memref_slice %arg4[%add3A_712, %dma_start3A_738] : memref<5000x320xf32, #tpu.memory_space<hbm>> -> memref<1x320xf32, #tpu.memory_space<hbm>>
          %dma_start3A_740 = tpu.memref_squeeze %dma_start3A_739 : memref<1x320xf32, #tpu.memory_space<hbm>> -> memref<320xf32, #tpu.memory_space<hbm>>
          tpu.enqueue_dma source(%dma_start3A_740 : memref<320xf32, #tpu.memory_space<hbm>>) target(%dma_start3A_737 : memref<320xf32, #tpu.memory_space<vmem>>) target_semaphore(%arg13 : memref<!tpu.dma_semaphore, #tpu.memory_space<semaphore_mem>>)
        } else {
        }
      } else {
      }
    }
    %scan3A_186 = arith.constant 157 : i32
    %dma_wait3A_187 = arith.constant 0 : i32
    %dma_wait3A_188 = arith.constant 0 : i32
    %dma_wait3A_189 = arith.constant 0 : i32
    %dma_wait3A_190 = arith.constant 0 : i32
    %dma_wait3A_191 = tpu.memref_slice %arg10[%dma_wait3A_188, %dma_wait3A_189, %dma_wait3A_190] : memref<3x40x128xf32, #tpu.memory_space<vmem>> -> memref<1x40x128xf32, #tpu.memory_space<vmem>>
    %dma_wait3A_192 = tpu.memref_squeeze %dma_wait3A_191 : memref<1x40x128xf32, #tpu.memory_space<vmem>> -> memref<40x128xf32, #tpu.memory_space<vmem>>
    %dma_wait3A_193 = arith.constant 0 : i32
    %dma_wait3A_194 = arith.constant 0 : i32
    %dma_wait3A_195 = tpu.memref_slice %arg6[%dma_wait3A_187, %dma_wait3A_193, %dma_wait3A_194] : memref<1x200000x393xf32, #tpu.memory_space<hbm>> -> memref<1x40x128xf32, #tpu.memory_space<hbm>>
    %dma_wait3A_196 = tpu.memref_squeeze %dma_wait3A_195 : memref<1x40x128xf32, #tpu.memory_space<hbm>> -> memref<40x128xf32, #tpu.memory_space<hbm>>
    %dma_wait3A_197 = arith.constant 0 : i32
    %dma_wait3A_198 = arith.constant 0 : i32
    %dma_wait3A_199 = tpu.memref_slice %arg10[%dma_wait3A_188, %dma_wait3A_197, %dma_wait3A_198] : memref<3x40x128xf32, #tpu.memory_space<vmem>> -> memref<1x40x128xf32, #tpu.memory_space<vmem>>
    %dma_wait3A_200 = tpu.memref_squeeze %dma_wait3A_199 : memref<1x40x128xf32, #tpu.memory_space<vmem>> -> memref<40x128xf32, #tpu.memory_space<vmem>>
    %dma_wait3A_201 = arith.constant 0 : i32
    %dma_wait3A_202 = arith.constant 0 : i32
    %dma_wait3A_203 = tpu.memref_slice %arg6[%dma_wait3A_187, %dma_wait3A_201, %dma_wait3A_202] : memref<1x200000x393xf32, #tpu.memory_space<hbm>> -> memref<1x40x128xf32, #tpu.memory_space<hbm>>
    %dma_wait3A_204 = tpu.memref_squeeze %dma_wait3A_203 : memref<1x40x128xf32, #tpu.memory_space<hbm>> -> memref<40x128xf32, #tpu.memory_space<hbm>>
    tpu.wait_dma2 semaphore(%arg15 : memref<!tpu.dma_semaphore, #tpu.memory_space<semaphore_mem>>) src(%dma_wait3A_204 : memref<40x128xf32, #tpu.memory_space<hbm>>) dst(%dma_wait3A_200 : memref<40x128xf32, #tpu.memory_space<vmem>>)
    %dma_wait3A_205 = arith.constant 0 : i32
    %dma_wait3A_206 = arith.constant 1 : i32
    %dma_wait3A_207 = arith.constant 0 : i32
    %dma_wait3A_208 = arith.constant 0 : i32
    %dma_wait3A_209 = tpu.memref_slice %arg10[%dma_wait3A_206, %dma_wait3A_207, %dma_wait3A_208] : memref<3x40x128xf32, #tpu.memory_space<vmem>> -> memref<1x40x128xf32, #tpu.memory_space<vmem>>
    %dma_wait3A_210 = tpu.memref_squeeze %dma_wait3A_209 : memref<1x40x128xf32, #tpu.memory_space<vmem>> -> memref<40x128xf32, #tpu.memory_space<vmem>>
    %dma_wait3A_211 = arith.constant 0 : i32
    %dma_wait3A_212 = arith.constant 128 : i32
    %dma_wait3A_213 = tpu.memref_slice %arg6[%dma_wait3A_205, %dma_wait3A_211, %dma_wait3A_212] : memref<1x200000x393xf32, #tpu.memory_space<hbm>> -> memref<1x40x128xf32, #tpu.memory_space<hbm>>
    %dma_wait3A_214 = tpu.memref_squeeze %dma_wait3A_213 : memref<1x40x128xf32, #tpu.memory_space<hbm>> -> memref<40x128xf32, #tpu.memory_space<hbm>>
    %dma_wait3A_215 = arith.constant 0 : i32
    %dma_wait3A_216 = arith.constant 0 : i32
    %dma_wait3A_217 = tpu.memref_slice %arg10[%dma_wait3A_206, %dma_wait3A_215, %dma_wait3A_216] : memref<3x40x128xf32, #tpu.memory_space<vmem>> -> memref<1x40x128xf32, #tpu.memory_space<vmem>>
    %dma_wait3A_218 = tpu.memref_squeeze %dma_wait3A_217 : memref<1x40x128xf32, #tpu.memory_space<vmem>> -> memref<40x128xf32, #tpu.memory_space<vmem>>
    %dma_wait3A_219 = arith.constant 0 : i32
    %dma_wait3A_220 = arith.constant 128 : i32
    %dma_wait3A_221 = tpu.memref_slice %arg6[%dma_wait3A_205, %dma_wait3A_219, %dma_wait3A_220] : memref<1x200000x393xf32, #tpu.memory_space<hbm>> -> memref<1x40x128xf32, #tpu.memory_space<hbm>>
    %dma_wait3A_222 = tpu.memref_squeeze %dma_wait3A_221 : memref<1x40x128xf32, #tpu.memory_space<hbm>> -> memref<40x128xf32, #tpu.memory_space<hbm>>
    tpu.wait_dma2 semaphore(%arg15 : memref<!tpu.dma_semaphore, #tpu.memory_space<semaphore_mem>>) src(%dma_wait3A_222 : memref<40x128xf32, #tpu.memory_space<hbm>>) dst(%dma_wait3A_218 : memref<40x128xf32, #tpu.memory_space<vmem>>)
    %dma_wait3A_223 = arith.constant 0 : i32
    %dma_wait3A_224 = arith.constant 2 : i32
    %dma_wait3A_225 = arith.constant 0 : i32
    %dma_wait3A_226 = arith.constant 0 : i32
    %dma_wait3A_227 = tpu.memref_slice %arg10[%dma_wait3A_224, %dma_wait3A_225, %dma_wait3A_226] : memref<3x40x128xf32, #tpu.memory_space<vmem>> -> memref<1x40x128xf32, #tpu.memory_space<vmem>>
    %dma_wait3A_228 = tpu.memref_squeeze %dma_wait3A_227 : memref<1x40x128xf32, #tpu.memory_space<vmem>> -> memref<40x128xf32, #tpu.memory_space<vmem>>
    %dma_wait3A_229 = arith.constant 0 : i32
    %dma_wait3A_230 = arith.constant 256 : i32
    %dma_wait3A_231 = tpu.memref_slice %arg6[%dma_wait3A_223, %dma_wait3A_229, %dma_wait3A_230] : memref<1x200000x393xf32, #tpu.memory_space<hbm>> -> memref<1x40x128xf32, #tpu.memory_space<hbm>>
    %dma_wait3A_232 = tpu.memref_squeeze %dma_wait3A_231 : memref<1x40x128xf32, #tpu.memory_space<hbm>> -> memref<40x128xf32, #tpu.memory_space<hbm>>
    %dma_wait3A_233 = arith.constant 0 : i32
    %dma_wait3A_234 = arith.constant 0 : i32
    %dma_wait3A_235 = tpu.memref_slice %arg10[%dma_wait3A_224, %dma_wait3A_233, %dma_wait3A_234] : memref<3x40x128xf32, #tpu.memory_space<vmem>> -> memref<1x40x128xf32, #tpu.memory_space<vmem>>
    %dma_wait3A_236 = tpu.memref_squeeze %dma_wait3A_235 : memref<1x40x128xf32, #tpu.memory_space<vmem>> -> memref<40x128xf32, #tpu.memory_space<vmem>>
    %dma_wait3A_237 = arith.constant 0 : i32
    %dma_wait3A_238 = arith.constant 256 : i32
    %dma_wait3A_239 = tpu.memref_slice %arg6[%dma_wait3A_223, %dma_wait3A_237, %dma_wait3A_238] : memref<1x200000x393xf32, #tpu.memory_space<hbm>> -> memref<1x40x128xf32, #tpu.memory_space<hbm>>
    %dma_wait3A_240 = tpu.memref_squeeze %dma_wait3A_239 : memref<1x40x128xf32, #tpu.memory_space<hbm>> -> memref<40x128xf32, #tpu.memory_space<hbm>>
    tpu.wait_dma2 semaphore(%arg15 : memref<!tpu.dma_semaphore, #tpu.memory_space<semaphore_mem>>) src(%dma_wait3A_240 : memref<40x128xf32, #tpu.memory_space<hbm>>) dst(%dma_wait3A_236 : memref<40x128xf32, #tpu.memory_space<vmem>>)
    %dma_wait3A_241 = arith.constant 0 : i32
    %dma_wait3A_242 = arith.constant 0 : i32
    %dma_wait3A_243 = arith.constant 384 : i32
    %dma_wait3A_244 = tpu.memref_slice %arg6[%dma_wait3A_241, %dma_wait3A_242, %dma_wait3A_243] : memref<1x200000x393xf32, #tpu.memory_space<hbm>> -> memref<1x40x9xf32, #tpu.memory_space<hbm>>
    %dma_wait3A_245 = tpu.memref_squeeze %dma_wait3A_244 : memref<1x40x9xf32, #tpu.memory_space<hbm>> -> memref<40x9xf32, #tpu.memory_space<hbm>>
    %dma_wait3A_246 = arith.constant 0 : i32
    %dma_wait3A_247 = arith.constant 384 : i32
    %dma_wait3A_248 = tpu.memref_slice %arg6[%dma_wait3A_241, %dma_wait3A_246, %dma_wait3A_247] : memref<1x200000x393xf32, #tpu.memory_space<hbm>> -> memref<1x40x9xf32, #tpu.memory_space<hbm>>
    %dma_wait3A_249 = tpu.memref_squeeze %dma_wait3A_248 : memref<1x40x9xf32, #tpu.memory_space<hbm>> -> memref<40x9xf32, #tpu.memory_space<hbm>>
    tpu.wait_dma2 semaphore(%arg15 : memref<!tpu.dma_semaphore, #tpu.memory_space<semaphore_mem>>) src(%dma_wait3A_249 : memref<40x9xf32, #tpu.memory_space<hbm>>) dst(%arg11 : memref<40x9xf32, #tpu.memory_space<vmem>>)
    return
  }
}

</mosaic_0001>

<sc_bundles>
// kernel: kernel.3.cloned.1.call-start
scs
__scs_entry_jumppad:
0x0: {  	(pc) =	sbr.rel $0x88, $3  }
0x1: {  	(tag) =	ssettag $0x0;
	lr =	simm.s32 $0x1  }
0x2: {  	[smem:$0x3F9C] =	sst lr;
	_ =	strace $0xD0000000  }
0x3: {  	_ = 	snop  }
0x4: {  	_ = 	snop  }
0x5: {  	_ = 	snop  }
0x6: {  	_ = 	snop  }
0x7: {  	_ = 	snop  }
__scs_overlays_trampoline_lowered:
0x8: {  	[smem:$0x3FAB] =	sst s0  }
0x9: {  	[smem:$0x3FAC] =	sst s1  }
0xa: {  	[smem:$0x3FAD] =	sst s2  }
0xb: {  	[smem:$0x3FAE] =	sst s3  }
0xc: {  	[smem:$0x3FAF] =	sst s4  }
0xd: {  	[smem:$0x3FB0] =	sst s5  }
0xe: {  	[smem:$0x3FB1] =	sst s6  }
0xf: {  	[smem:$0x3FB2] =	sst s7  }
0x10: {  	[smem:$0x3FB3] =	sst s8  }
0x11: {  	[smem:$0x3FB4] =	sst s9;
	s0 =	simm.s32 @!p0 $0x0  }
0x12: {  	s1 =	sld [smem:$0x3F9A];
	s0 =	simm.s32 @p0 $0x1  }
0x13: {  	[smem:$0x3FB5] =	sst s0;
	s0 =	simm.s32 @!p1 $0x0  }
0x14: {  	s2 =	sld [smem:$0x3F99];
	s0 =	simm.s32 @p1 $0x1  }
0x15: {  	[smem:$0x3FB6] =	sst s0;
	s0 =	simm.s32 @!p2 $0x0  }
0x16: {  	s3 =	sld [smem:$0x3FDB];
	s0 =	simm.s32 @p2 $0x1  }
0x17: {  	s4 =	simm.s32 $0x1BF5;
	[smem:$0x3FB8] =	sst s0  }
0x18: {  	s0 =	sld [smem:$0x3F9B];
	_ =	swait.ge [sflag:s4], $0x0  }
0x19: {  	s7 =	sld [smem:$0x3F9C]  }
0x1a: {  	s8 =	sadd.s32 $0xFFFFE003, lr  }
0x1b: {  	s9 =	sadd.s32 $0xFFFFFEF7, lr;
	s5 =	simm.s32 $0xFFFFFFFF;
	p2 =	slt.u32 s8, $0xFFFFF086  }
0x1c: {  	p1 =	slt.u32 s9, $0xF7A;
	s5 =	simm.s32 @!p2 $0x0  }
0x1d: {  	s5 =	simm.s32 @p1 $0x1;
	p0 =	seq.s32 s7, s2  }
0x1e: {  	s7 =	smul.u32 @!p0 $0xF7A, s2;
	p2 =	seq.s32 @!p0 s5, $0x0  }
0x1f: {  	s9 =	smul.u32 $0xF7A, s1;
	s8 =	simm.s32 @!p0 $0x1BF5;
	p2 =	por !p2, p0  }
0x20: {  	[sflag:s8] =	ssyncset.s32 @!p0 $0xFFFFF086;
	s6 =	sadd.s32 @!p0 s3, s7;
	s7 =	simm.s32 @!p0 $0x108  }
0x21: {  	s3 =	sadd.s32 s3, s9;
	s6 =	sadd.s32 @!p0 $0x88, s6;
	s7 =	simm.s32 @p2 $0x1082  }
0x22: {  	[simem:s7], [sflag:s8] =	dma.local @!p0 [hbm:s6], $0xF7A  }
0x23: {  	s9 =	sor.u32 $0xD0000000, s2;
	s6 =	simm.s32 $0x108;
	_ =	swait.ge @!p0 [sflag:s8], $0x0  }
0x24: {  	s3 =	sadd.s32 $0x88, s3;
	s6 =	simm.s32 @!p1 $0x1082;
	[sflag:s4] =	ssyncset.s32 $0xFFFFF086  }
0x25: {  	[simem:s6], [sflag:s4] =	dma.local [hbm:s3], $0xF7A  }
0x26: {  	[smem:$0x3F9C] =	sst s1;
	(tag) =	ssettag s2;
	_ =	strace s9  }
0x27: {  	s1 =	sld [smem:$0x3FAC]  }
0x28: {  	s2 =	sld [smem:$0x3FAD]  }
0x29: {  	s4 =	sld [smem:$0x3FAF]  }
0x2a: {  	p0 =	seq.s32 s5, $0x0;
	s5 =	sld [smem:$0x3FB0]  }
0x2b: {  	s6 =	sld [smem:$0x3FB1]  }
0x2c: {  	s7 =	sld [smem:$0x3FB2]  }
0x2d: {  	s3 =	simm.s32 $0x108;
	s8 =	sld [smem:$0x3FB3]  }
0x2e: {  	s3 =	simm.s32 @!p0 $0x1082;
	s9 =	sld [smem:$0x3FB4]  }
0x2f: {  	lr =	sadd.s32 s0, s3;
	s0 =	sld [smem:$0x3FAB]  }
0x30: {  	s3 =	sld [smem:$0x3FAE]  }
0x31: {  	[smem:$0x3FB7] =	sst s10  }
0x32: {  	s10 =	sld [smem:$0x3FB5];
	_ =	sdelay $0x3  }
0x33: {  	p0 =	seq.s32 s10, $0x1;
	s10 =	sld [smem:$0x3FB7];
	_ =	sdelay $0x3  }
0x34: {  	[smem:$0x3FB7] =	sst s10  }
0x35: {  	s10 =	sld [smem:$0x3FB6];
	_ =	sdelay $0x3  }
0x36: {  	p1 =	seq.s32 s10, $0x1;
	s10 =	sld [smem:$0x3FB7];
	_ =	sdelay $0x3  }
0x37: {  	[smem:$0x3FB7] =	sst s10  }
0x38: {  	s10 =	sld [smem:$0x3FB8]  }
0x39: {  	_ = 	snop;
	(pc) =	sbr.ind lr, $3  }
0x3a: {  	_ = 	snop  }
0x3b: {  	_ = 	snop  }
0x3c: {  	p2 =	seq.s32 s10, $0x1;
	s10 =	sld [smem:$0x3FB7]  }
0x3d: {  	_ =	shalt  }
0x3e: {  	_ =	shalt  }
0x3f: {  	_ =	shalt  }
0x40: {  	_ =	shalt  }
0x41: {  	_ =	shalt  }
0x42: {  	_ =	shalt  }
0x43: {  	_ =	shalt  }
0x44: {  	_ =	shalt  }
0x45: {  	_ =	shalt  }
0x46: {  	_ =	shalt  }
0x47: {  	_ =	shalt  }
0x48: {  	_ =	shalt  }
0x49: {  	_ =	shalt  }
0x4a: {  	_ =	shalt  }
0x4b: {  	_ =	shalt  }
0x4c: {  	_ =	shalt  }
0x4d: {  	_ =	shalt  }
0x4e: {  	_ =	shalt  }
0x4f: {  	_ =	shalt  }
0x50: {  	_ =	shalt  }
0x51: {  	_ =	shalt  }
0x52: {  	_ =	shalt  }
0x53: {  	_ =	shalt  }
0x54: {  	_ =	shalt  }
0x55: {  	_ =	shalt  }
0x56: {  	_ =	shalt  }
0x57: {  	_ =	shalt  }
0x58: {  	_ =	shalt  }
0x59: {  	_ =	shalt  }
0x5a: {  	_ =	shalt  }
0x5b: {  	_ =	shalt  }
0x5c: {  	_ =	shalt  }
0x5d: {  	_ =	shalt  }
0x5e: {  	_ =	shalt  }
0x5f: {  	_ =	shalt  }
0x60: {  	_ =	shalt  }
0x61: {  	_ =	shalt  }
0x62: {  	_ =	shalt  }
0x63: {  	_ =	shalt  }
0x64: {  	_ =	shalt  }
0x65: {  	_ =	shalt  }
0x66: {  	_ =	shalt  }
0x67: {  	_ =	shalt  }
0x68: {  	_ =	shalt  }
0x69: {  	_ =	shalt  }
0x6a: {  	_ =	shalt  }
0x6b: {  	_ =	shalt  }
0x6c: {  	_ =	shalt  }
0x6d: {  	_ =	shalt  }
0x6e: {  	_ =	shalt  }
0x6f: {  	_ =	shalt  }
0x70: {  	_ =	shalt  }
0x71: {  	_ =	shalt  }
0x72: {  	_ =	shalt  }
0x73: {  	_ =	shalt  }
0x74: {  	_ =	shalt  }
0x75: {  	_ =	shalt  }
0x76: {  	_ =	shalt  }
0x77: {  	_ =	shalt  }
0x78: {  	_ =	shalt  }
0x79: {  	_ =	shalt  }
0x7a: {  	_ =	shalt  }
0x7b: {  	_ =	shalt  }
0x7c: {  	_ =	shalt  }
0x7d: {  	_ =	shalt  }
0x7e: {  	_ =	shalt  }
0x7f: {  	_ =	shalt  }
0x80: {  	_ =	shalt  }
0x81: {  	_ =	shalt  }
0x82: {  	_ =	shalt  }
0x83: {  	_ =	shalt  }
0x84: {  	_ =	shalt  }
0x85: {  	_ =	shalt  }
0x86: {  	_ =	shalt  }
0x87: {  	_ =	shalt  }
.Lfunc_end0:
.L_simem_size_0:
called_computation_lowered:
.L_overlay_start_0:
0x88: {  	s2 =	sld [smem:$0x3FD9]  }
0x89: {  	s3 =	sld [smem:$0x3FFE];
	_ =	sdelay $0x1  }
0x8a: {  	s1 =	srdreg.scid  }
0x8b: {  	s0 =	sand.u32 $0x1, s1  }
0x8c: {  	s17 =	sshll.u32 s0, $0xA;
	s2 =	sadd.s32 s3, s2  }
0x8d: {  	s2 =	sadd.s32 s2, s17  }
0x8e: {  	[smem:$0x3FC3] =	sst s2  }
0x8f: {  	_ = 	snop  }
0x90: {  	s2 =	sld [smem:$0x3FC9]  }
0x91: {  	s18 =	sld [smem:$0x3FD0];
	(tm) =	ssettm $0x1  }
0x92: {  	s4 =	sld [smem:$0x3FFB];
	_ =	sdelay $0x3  }
0x93: {  	_ =	strace s4  }
0x94: {  	s4 =	sld [smem:$0x3FFC];
	_ =	sdelay $0x3  }
0x95: {  	_ =	strace s4  }
0x96: {  	s4 =	sld [smem:$0x3FFD];
	_ =	sdelay $0x3  }
0x97: {  	_ =	strace s4  }
0x98: {  	_ =	strace $0x8FFFFFFF  }
0x99: {  	s19 =	sld [smem:$0x3FDB];
	_ =	sdelay $0x1  }
0x9a: {  	s5 =	simm.s32 $_scs_section_size  }
0x9b: {  	s6 =	simm.s32 $_size__tile_overlayer_lowered;
	s7 =	simm.s32 $_tile_overlayer_lowered  }
0x9c: {  	s22 =	simm.s32 $0x1BFF;
	s21 =	sshll.u32 s7, $0x1;
	s4 =	sadd.s32 s5, s19  }
0x9d: {  	s8 =	simm.s32 $0x0;
	s20 =	sshll.u32 s6, $0x1;
	s6 =	sadd.s32 s21, s4  }
0x9e: {  	[timem:s8], [sflag:s22] =	dma.local [hbm:s6], s20  }
0x9f: {  	_ =	swait.ge [sflag:s22], s20  }
0xa0: {  	s5 =	ssub.s32 $0x0, s20;
	[sflag:s22] =	ssyncset.done $0x0  }
0xa1: {  	[sflag:s22] =	ssyncadd.s32 s5;
	_ =	sdelay $0x1  }
0xa2: {  	s23 =	simm.s32 $0x1B8B  }
0xa3: {  	_ =	swait.ge [sflag:s23], $0x1  }
0xa4: {  	[sflag:s23] =	ssyncset.done $0x0  }
0xa5: {  	s25 =	simm.s32 $0x1B8E;
	s24 =	sld [smem:$0x3FFE];
	[sflag:s23] =	ssyncadd.s32 $0xFFFFFFFF  }
0xa6: {  	s26 =	simm.s32 $execute0_lowered;
	[smem:$0x3FD2] =	sst s25  }
0xa7: {  	s6 =	sshll.u32 s26, $0x1;
	_ =	strace $0x80000046;
	[dreg:$0x1] =	wrdreg $0xFFFFFFFF  }
0xa8: {  	s28 =	simm.s32 $_size_execute0_lowered;
	s4 =	sadd.s32 s4, s6;
	[dreg:$0x0] =	wrdreg $0x0  }
0xa9: {  	s6 =	sshll.u32 s28, $0x1;
	[dreg:$0x2] =	wrdreg s4  }
0xaa: {  	[dreg:$0x3] =	wrdreg s6  }
0xab: {  	[dreg:$0x4] =	wrdreg $0xC0  }
0xac: {  	_ =	task [dreg:s8], $0x5FFFF  }
0xad: {  	[dreg:$0x1] =	wrdreg $0xFFFFFFFF  }
0xae: {  	[dreg:$0x0] =	wrdreg $0x60  }
0xaf: {  	[dreg:$0x2] =	wrdreg s2  }
0xb0: {  	[dreg:$0x3] =	wrdreg s24  }
0xb1: {  	[dreg:$0x4] =	wrdreg s18  }
0xb2: {  	[dreg:$0x5] =	wrdreg $0x9  }
0xb3: {  	_ =	task.clear_ibuf [dreg:s8], $0x6FFFF;
	_ =	strace $0x90000046  }
0xb4: {  	s29 =	simm.s32 $0x9;
	_ =	strace $0x80000048  }
0xb5: {  	_ =	swait.ge [sflag:s29], $0x1  }
0xb6: {  	[sflag:s29] =	ssyncadd.s32 $0xFFFFFFFF  }
0xb7: {  	_ =	strace $0x90000048  }
0xb8: {  	_ =	sfence  }
0xb9: {  	s30 =	sld [smem:$0x0];
	_ =	sdelay $0x2  }
0xba: {  	s31 =	sshll.u32 s1, $0xD;
	s1 =	sshrl.u32 s1, $0x2  }
0xbb: {  	s3 =	sand.u32 $0x4000, s31;
	s1 =	sadd.s32 s1, s30  }
0xbc: {  	s0 =	sor.u32 s3, s0;
	s1 =	sshll.u32 s1, $0x11  }
0xbd: {  	s0 =	sor.u32 s1, s0  }
0xbe: {  	s0 =	sadd.s32 $0x8F2B, s0  }
0xbf: {  	[sflag:s0] =	ssyncadd.remote.s32 $0x1  }
0xc0: {  	_ =	sfence.sel $0xFFFF  }
0xc1: {  	[dreg:$0x0] =	wrdreg $0xFFFFFFFF;
	(pc) =	sbr.abs _section_cstart, $3  }
0xc2: {  	[dreg:$0x1] =	wrdreg $0xFFFFFFFF  }
0xc3: {  	_ =	task.clear_ibuf [dreg:s8], $0x2FFFF;
	_ =	strace $0x9FFFFFFF  }
0xc4: {  	(tm) =	ssettm $0x7FFFFFFF  }
0xc5: {  	_ =	shalt  }
tec
execute0_lowered:
.L_overlay_start_1:
0x0: {  	(tag) =	ssettag $0x1  }
0x1: {  	v0 =	vimm.s32 $0x1380;
	vm3 =	vcmask $0x300  }
0x2: {  	v1 =	vimm.s32 $0x76747270;
	vm1 =	vcmask $0x704;
	vm0 =	vcmask $0xF00  }
0x3: {  	v2 =	vimm.s32 $0x7E7C7A78;
	v3 =	vimm.s32 $0x77757371;
	v4 =	vimm.s32 $0x7F7D7B79  }
0x4: {  	v5 =	vimm.s32 $0x46444240;
	vm2 =	vcmask $0x1F10;
	v7 =	vimm.s32 $0x11E  }
0x5: {  	v8 =	vimm.s32 $0x1383;
	v9 =	vimm.s32 $0x11F;
	v10 =	vimm.s32 $0x1384  }
0x6: {  	v11 =	vimm.s32 $0x16E;
	v12 =	vimm.s32 $0x1385;
	v13 =	vimm.s32 $0x16F  }
0x7: {  	v14 =	vimm.s32 $0x1386;
	v15 =	vimm.s32 $0x23E;
	v16 =	vimm.s32 $0x1387  }
0x8: {  	v17 =	vimm.s32 $0x23F;
	v21 =	vimm.s32 $0x1388;
	v22 =	vimm.s32 $0x2808  }
0x9: {  	v54 =	vlaneseq.u32;
	v0 =	vsel vm3, $0x1000, v0;
	v1 =	vunpack.c.0.s8.s32 v1  }
0xa: {  	v2 =	vunpack.c.0.s8.s32 v2;
	v3 =	vunpack.c.0.s8.s32 v3;
	v4 =	vunpack.c.0.s8.s32 v4  }
0xb: {  	v5 =	vunpack.c.0.s8.s32 v5;
	v7 =	vsel vm3, $0x110, v7;
	v8 =	vsel vm3, $0x1003, v8  }
0xc: {  	v9 =	vsel vm3, $0x111, v9;
	v10 =	vsel vm3, $0x1004, v10;
	v11 =	vsel vm3, $0x160, v11  }
0xd: {  	v12 =	vsel vm3, $0x1005, v12;
	v13 =	vsel vm3, $0x161, v13;
	v14 =	vsel vm3, $0x1006, v14  }
0xe: {  	v15 =	vsel vm3, $0x230, v15;
	v16 =	vsel vm3, $0x1007, v16;
	v17 =	vsel vm3, $0x231, v17  }
0xf: {  	v21 =	vsel vm3, $0x1008, v21;
	v22 =	vsel vm3, $0x1479, v22;
	v53 =	vadd.s32 $0x2879, v54  }
0x10: {  	v6 =	vsel vm1, $0x1080, v0;
	v7 =	vsel vm1, $0x112, v7;
	v8 =	vsel vm1, $0x1083, v8  }
0x11: {  	v9 =	vsel vm1, $0x113, v9;
	v10 =	vsel vm1, $0x1084, v10;
	v11 =	vsel vm1, $0x162, v11  }
0x12: {  	v12 =	vsel vm1, $0x1085, v12;
	v13 =	vsel vm1, $0x163, v13;
	v14 =	vsel vm1, $0x1086, v14  }
0x13: {  	v15 =	vsel vm1, $0x232, v15;
	v16 =	vsel vm1, $0x1087, v16;
	v17 =	vsel vm1, $0x233, v17  }
0x14: {  	v21 =	vsel vm1, $0x1088, v21;
	v22 =	vsel vm1, $0x147A, v22;
	v1 =	vnsel vm0, $0x10E, v1  }
0x15: {  	v0 =	vnsel vm0, $0x10F, v3;
	v3 =	vimm.s32 $0x4F4D4B49;
	v19 =	vsel vm2, v2, v1  }
0x16: {  	v20 =	vsel vm2, v4, v0;
	v1 =	vimm.s32 $0x47454341;
	v2 =	vimm.s32 $0x4E4C4A48  }
0x17: {  	v0 =	vnsel vm0, $0x4E, v5;
	v1 =	vunpack.c.0.s8.s32 v1;
	v2 =	vunpack.c.0.s8.s32 v2  }
0x18: {  	v3 =	vunpack.c.0.s8.s32 v3;
	v4 =	vimm.s32 $0x7C7B7A79;
	v5 =	vimm.s32 $0x7F7E7D  }
0x19: {  	v4 =	vunpack.c.0.s8.s32 v4;
	v1 =	vnsel vm0, $0x4F, v1;
	v0 =	vsel vm2, v2, v0  }
0x1a: {  	v2 =	vunpack.c.0.s8.s32 v5;
	v5 =	vimm.s32 $0x20E;
	v1 =	vsel vm2, v3, v1  }
0x1b: {  	vm2 =	vcmask $0xB08;
	v3 =	vnsel vm0, $0x1408, v4;
	vm0 =	vcmask $0x1B10  }
0x1c: {  	v4 =	vsel vm2, $0x1100, v6;
	v18 =	vsel vm0, v2, v3;
	vm0 =	vcmask $0xF0C  }
0x1d: {  	v2 =	vsel vm3, $0x170, v5;
	v3 =	vimm.s32 $0x20F;
	v5 =	vimm.s32 $0x1381  }
0x1e: {  	v6 =	vimm.s32 $0x1382;
	v7 =	vsel vm2, $0x114, v7;
	v8 =	vsel vm2, $0x1103, v8  }
0x1f: {  	v9 =	vsel vm2, $0x115, v9;
	v10 =	vsel vm2, $0x1104, v10;
	v11 =	vsel vm2, $0x164, v11  }
0x20: {  	v12 =	vsel vm2, $0x1105, v12;
	v13 =	vsel vm2, $0x165, v13;
	v14 =	vsel vm2, $0x1106, v14  }
0x21: {  	v15 =	vsel vm2, $0x234, v15;
	v16 =	vsel vm2, $0x1107, v16;
	v17 =	vsel vm2, $0x235, v17  }
0x22: {  	v21 =	vsel vm2, $0x1108, v21;
	v22 =	vsel vm2, $0x147B, v22;
	v3 =	vsel vm3, $0x171, v3  }
0x23: {  	v5 =	vsel vm3, $0x1001, v5;
	v6 =	vsel vm3, $0x1002, v6;
	v4 =	vsel vm0, $0x1180, v4  }
0x24: {  	v2 =	vsel vm1, $0x172, v2;
	v7 =	vsel vm0, $0x116, v7;
	v8 =	vsel vm0, $0x1183, v8  }
0x25: {  	v9 =	vsel vm0, $0x117, v9;
	v10 =	vsel vm0, $0x1184, v10;
	v11 =	vsel vm0, $0x166, v11  }
0x26: {  	v12 =	vsel vm0, $0x1185, v12;
	v13 =	vsel vm0, $0x167, v13;
	v14 =	vsel vm0, $0x1186, v14  }
0x27: {  	v15 =	vsel vm0, $0x236, v15;
	v16 =	vsel vm0, $0x1187, v16;
	v17 =	vsel vm0, $0x237, v17  }
0x28: {  	v21 =	vsel vm0, $0x1188, v21;
	v22 =	vsel vm0, $0x147C, v22;
	v3 =	vsel vm1, $0x173, v3  }
0x29: {  	v5 =	vsel vm1, $0x1081, v5;
	v6 =	vsel vm1, $0x1082, v6;
	vm1 =	vcmask $0x1310  }
0x2a: {  	v2 =	vsel vm2, $0x174, v2;
	v3 =	vsel vm2, $0x175, v3;
	v5 =	vsel vm2, $0x1101, v5  }
0x2b: {  	v6 =	vsel vm2, $0x1102, v6;
	v4 =	vsel vm1, $0x1200, v4;
	v23 =	vsel vm0, $0x176, v2  }
0x2c: {  	v2 =	vmul.u32 $0x80, v54;
	v7 =	vsel vm1, $0x118, v7;
	v8 =	vsel vm1, $0x1203, v8  }
0x2d: {  	v9 =	vsel vm1, $0x119, v9;
	v10 =	vsel vm1, $0x1204, v10;
	v11 =	vsel vm1, $0x168, v11  }
0x2e: {  	v12 =	vsel vm1, $0x1205, v12;
	v13 =	vsel vm1, $0x169, v13;
	v14 =	vsel vm1, $0x1206, v14  }
0x2f: {  	v15 =	vsel vm1, $0x238, v15;
	v16 =	vsel vm1, $0x1207, v16;
	v17 =	vsel vm1, $0x239, v17  }
0x30: {  	v21 =	vsel vm1, $0x1208, v21;
	v22 =	vsel vm1, $0x147D, v22;
	v3 =	vsel vm0, $0x177, v3  }
0x31: {  	v5 =	vsel vm0, $0x1181, v5;
	v6 =	vsel vm0, $0x1182, v6;
	vm0 =	vcmask $0x1714  }
0x32: {  	v23 =	vsel vm1, $0x178, v23;
	v4 =	vsel vm0, $0x1280, v4;
	v3 =	vsel vm1, $0x179, v3  }
0x33: {  	v5 =	vsel vm1, $0x1201, v5;
	v6 =	vsel vm1, $0x1202, v6;
	vm1 =	vcmask $0x1B18  }
0x34: {  	v23 =	vsel vm0, $0x17A, v23;
	v7 =	vsel vm0, $0x11A, v7;
	v8 =	vsel vm0, $0x1283, v8  }
0x35: {  	v9 =	vsel vm0, $0x11B, v9;
	v10 =	vsel vm0, $0x1284, v10;
	v11 =	vsel vm0, $0x16A, v11  }
0x36: {  	v12 =	vsel vm0, $0x1285, v12;
	v13 =	vsel vm0, $0x16B, v13;
	v14 =	vsel vm0, $0x1286, v14  }
0x37: {  	v15 =	vsel vm0, $0x23A, v15;
	v16 =	vsel vm0, $0x1287, v16;
	v17 =	vsel vm0, $0x23B, v17  }
0x38: {  	v21 =	vsel vm0, $0x1288, v21;
	v22 =	vsel vm0, $0x147E, v22;
	v36 =	vor.u32 $0x801, v2  }
0x39: {  	v38 =	vor.u32 $0x802, v2;
	v40 =	vor.u32 $0x803, v2;
	v42 =	vor.u32 $0x804, v2  }
0x3a: {  	v44 =	vor.u32 $0x805, v2;
	v23 =	vsel vm1, $0x17C, v23;
	v24 =	vsel vm0, $0x17B, v3  }
0x3b: {  	v5 =	vsel vm0, $0x1281, v5;
	v6 =	vsel vm0, $0x1282, v6;
	vm0 =	vcmask $0x1F1C  }
0x3c: {  	v3 =	vsel vm1, $0x1300, v4;
	v23 =	vsel vm0, $0x17E, v23;
	v24 =	vsel vm1, $0x17D, v24  }
0x3d: {  	v4 =	vsel vm1, $0x1301, v5;
	v5 =	vsel vm1, $0x1302, v6;
	v6 =	vsel vm1, $0x11C, v7  }
0x3e: {  	v7 =	vsel vm1, $0x1303, v8;
	v8 =	vsel vm1, $0x11D, v9;
	v9 =	vsel vm1, $0x1304, v10  }
0x3f: {  	v10 =	vsel vm1, $0x16C, v11;
	v11 =	vsel vm1, $0x1305, v12;
	v12 =	vsel vm1, $0x16D, v13  }
0x40: {  	v13 =	vsel vm1, $0x1306, v14;
	v14 =	vsel vm1, $0x23C, v15;
	v15 =	vsel vm1, $0x1307, v16  }
0x41: {  	v16 =	vsel vm1, $0x23D, v17;
	v17 =	vsel vm1, $0x1308, v21;
	v21 =	vsel vm1, $0x147F, v22  }
0x42: {  	vm1 =	vcmask $0x2320;
	v22 =	vsel vm0, $0x17F, v24;
	v24 =	vsel vm0, $0x1400, v18  }
0x43: {  	v21 =	vsel vm0, $0x2800, v21;
	v23 =	vsel vm1, $0x200, v23;
	v25 =	vsel vm1, $0x100, v19  }
0x44: {  	v26 =	vsel vm1, $0x101, v20;
	vm0 =	vcmask $0x2724;
	v22 =	vsel vm1, $0x201, v22  }
0x45: {  	v24 =	vsel vm1, $0x1401, v24;
	v21 =	vsel vm1, $0x2801, v21;
	v23 =	vsel vm0, $0x202, v23  }
0x46: {  	s0 =	rddreg [dreg:$0x0];
	v25 =	vsel vm0, $0x102, v25;
	v26 =	vsel vm0, $0x103, v26;
	v27 =	vsel vm0, $0x203, v22  }
0x47: {  	s1 =	rddreg [dreg:$0x1];
	v24 =	vsel vm0, $0x1402, v24;
	v28 =	vsel vm0, $0x2802, v21;
	vm0 =	vcmask $0x2B28  }
0x48: {  	s2 =	rddreg [dreg:$0x2];
	v46 =	vor.u32 $0x806, v2;
	v48 =	vor.u32 $0x807, v2;
	v29 =	vsel vm0, $0x204, v23  }
0x49: {  	s3 =	simm.s32 $0x0;
	s4 =	srdreg.scid;
	s12 =	stileid.u32;
	v27 =	vsel vm0, $0x205, v27;
	v25 =	vsel vm0, $0x104, v25;
	v26 =	vsel vm0, $0x105, v26  }
0x4a: {  	s20 =	simm.s32 $0x8700;
	s21 =	simm.s32 $0x8400;
	s28 =	simm.s32 $0x20;
	v30 =	vsel vm0, $0x1403, v24;
	v28 =	vsel vm0, $0x2803, v28;
	vm0 =	vcmask $0x2F2C  }
0x4b: {  	s29 =	simm.s32 $0x400;
	s30 =	simm.s32 $0xAF00;
	s31 =	simm.s32 $0x3;
	v50 =	vor.u32 $0x808, v2;
	v18 =	vor.u32 $0x800, v2;
	v29 =	vsel vm0, $0x206, v29  }
0x4c: {  	[smem:$0x7FF] =	sst s3;
	s5 =	sadd.s32 $0x3BA00, s1;
	s4 =	sand.u32 $0x1, s4;
	v27 =	vsel vm0, $0x207, v27;
	v31 =	vsel vm0, $0x106, v25;
	v32 =	vsel vm0, $0x107, v26  }
0x4d: {  	s6 =	sadd.s32 $0x1000, s1;
	s7 =	sadd.s32 $0x3BC00, s1;
	s14 =	sshll.u32 s12, $0x7;
	v30 =	vsel vm0, $0x1404, v30;
	v28 =	vsel vm0, $0x2804, v28;
	vm0 =	vcmask $0x3330  }
0x4e: {  	_ =	strace $0x80000047;
	s25 =	sshll.u32 s4, $0x4;
	s4 =	ssub.s32 $0x2, s4;
	v19 =	vmul.u32 $0x2, v54;
	v20 =	vor.u32 $0x1, v2;
	v29 =	vsel vm0, $0x208, v29  }
0x4f: {  	[dreg:$0x4] =	wrdreg s5;
	s8 =	sor.u32 s12, s25;
	s26 =	sshrl.u32 s4, $0x1;
	v33 =	vsel vm0, $0x209, v27;
	v31 =	vsel vm0, $0x108, v31;
	v32 =	vsel vm0, $0x109, v32  }
0x50: {  	s9 =	sshrl.u32 s8, $0x3;
	s10 =	sor.u32 $0x20, s8;
	s13 =	sshll.u32 s8, $0x6;
	v30 =	vsel vm0, $0x1405, v30;
	v34 =	vsel vm0, $0x2805, v28;
	vm0 =	vcmask $0x3734  }
0x51: {  	s4 =	ssub.s32 s4, s26;
	s11 =	smul.u32 $0xC00, s9;
	s15 =	sshrl.u32 s10, $0x3;
	v54 =	vadd.s32 $0xFFFFFFF9, v54;
	v21 =	vor.u32 $0x1, v19;
	v35 =	vsel vm0, $0x20A, v29  }
0x52: {  	s9 =	sand.u32 $0x380, s14;
	s16 =	sadd.s32 s2, s13;
	s10 =	sshll.u32 s10, $0x6;
	v33 =	vsel vm0, $0x20B, v33;
	v39 =	vsel vm0, $0x10A, v31;
	v41 =	vsel vm0, $0x10B, v32  }
0x53: {  	s14 =	sadd.s32 $0x3BC80, s1;
	s24 =	smax.u32 s4, $0x1;
	s12 =	smul.u32 $0xC00, s15;
	v51 =	vsel vm0, $0x1406, v30;
	v52 =	vsel vm0, $0x2806, v34;
	vm0 =	vcmask $0x3B38  }
0x54: {  	[dreg:$0x5] =	wrdreg s16;
	s22 =	sadd.s32 s2, s10;
	s15 =	sadd.s32 $0x3BD00, s1;
	v22 =	vor.u32 $0x2, v2;
	v37 =	vor.u32 $0x21, v19;
	v31 =	vsel vm0, $0x20C, v35  }
0x55: {  	s16 =	sadd.s32 $0x3BD80, s1;
	[dreg:$0x8] =	wrdreg s24;
	s17 =	sor.u32 s9, s11;
	v33 =	vsel vm0, $0x20D, v33;
	v39 =	vsel vm0, $0x10C, v39;
	v41 =	vsel vm0, $0x10D, v41  }
0x56: {  	s1 =	simm.s32 $0x0;
	[dreg:$0x7] =	wrdreg s22;
	s5 =	sshrl.u32 s17, $0x3;
	v51 =	vsel vm0, $0x1407, v51;
	v52 =	vsel vm0, $0x2807, v52;
	vm0 =	vcmask $0x3F1C  }
.Ltmp0:
0x57: {  	s18 =	sor.u32 s9, s12;
	s19 =	sadd.s32 s6, s5;
	v43 =	vor.u32 $0x140, v19;
	v45 =	vor.u32 $0x141, v19;
	v47 =	vadd.s32 $0x210, v19;
	(pc) =	sbr.rel .LBB2_1-.Ltmp0, $4  }
0x58: {  	s23 =	sshrl.u32 s18, $0x3;
	s5 =	simm.s32 $0x2;
	s18 =	simm.s32 $0xC300;
	v49 =	vadd.s32 $0x211, v19;
	v23 =	vadd.s32 $0x50, v19;
	v24 =	vor.u32 $0x3, v2  }
0x59: {  	s13 =	sadd.s32 s6, s23;
	s25 =	sadd.s32 $0x80, s19;
	[dreg:$0x6] =	wrdreg s19;
	v25 =	vadd.s32 $0x51, v19;
	v26 =	vor.u32 $0x4, v2;
	v27 =	vor.u32 $0x120, v19  }
0x5a: {  	s26 =	sadd.s32 $0x100, s19;
	s23 =	simm.s32 $0x1000;
	[dreg:$0x9] =	wrdreg s25;
	v28 =	vor.u32 $0x5, v2;
	v29 =	vor.u32 $0x121, v19;
	v30 =	vor.u32 $0x6, v2  }
0x5b: {  	[dreg:$0xa] =	wrdreg s26;
	s26 =	simm.s32 $0x1;
	s25 =	simm.s32 $0x9B00;
	v32 =	vor.u32 $0x7, v2;
	v34 =	vor.u32 $0x8, v2;
	v35 =	vor.u32 $0x20, v19  }
.LBB2_7:
0x5c: {  	_ =	swait.ge [sflag:s31], $0x1400  }
0x5d: {  	[sflag:s31] =	ssyncset.done $0x0  }
0x5e: {  	[sflag:s31] =	ssyncadd.s32 $0xFFFFEC00  }
0x5f: {  	_ =	swait.ge [sflag:s31], $0x1400  }
0x60: {  	[sflag:s31] =	ssyncset.done $0x0  }
0x61: {  	[sflag:s31] =	ssyncadd.s32 $0xFFFFEC00  }
0x62: {  	_ =	swait.ge [sflag:s31], $0x1400  }
0x63: {  	[sflag:s31] =	ssyncset.done $0x0  }
0x64: {  	[sflag:s31] =	ssyncadd.s32 $0xFFFFEC00  }
0x65: {  	_ =	swait.ge [sflag:s31], $0x1400  }
0x66: {  	s1 =	sadd.s32 $0x1, s1;
	s4 =	rddreg [dreg:$0x8]  }
0x67: {  	p0 =	sne.s32 s1, s4  }
.Ltmp1:
0x68: {  	_ = 	snop;
	(pc) =	sbr.rel @!p0 .LBB2_8-.Ltmp1, $3  }
0x69: {  	_ =	sdelay $0x1  }
0x6a: {  	[sflag:s31] =	ssyncset.done $0x0  }
0x6b: {  	[sflag:s31] =	ssyncadd.s32 $0xFFFFEC00  }
.LBB2_1:
0x6c: {  	s4 =	rddreg [dreg:$0x4];
	s10 =	simm.s32 $0xD700  }
0x6d: {  	[tilespmem:s10], [sflag:$0x4] =	stream.linear.gather [hbm4b:s4+s3], $0x80, $0x38;
	[tilespmem:$0xD780] =	vst v63  }
0x6e: {  	s10 =	simm.s32 $0x4  }
0x6f: {  	_ =	swait.ge [sflag:s10], $0x80  }
0x70: {  	[sflag:s10] =	ssyncset.done $0x0  }
0x71: {  	[sflag:s10] =	ssyncadd.s32 $0xFFFFFF80  }
0x72: {  	v55 =	vld [tilespmem:$0xD700];
	_ =	sdelay $0x4  }
0x73: {  	[tilespmem:v2+s20+$0x0] =	vst.idx.msk $0xffff, v55  }
0x74: {  	[tilespmem:v18+s20+$0x0] =	vst.idx.msk $0xffff, v55  }
0x75: {  	s11 =	rddreg [dreg:$0x5];
	[tilespmem:v3+s20+$0x0] =	vst.idx.msk $0xff, v55  }
0x76: {  	[tilespmem:s3], [sflag:$0x1] =	stream.linear.gather [hbm4b:s11+s3], $0x200, $0x38;
	[tilespmem:$0xD780] =	vst v63  }
0x77: {  	s12 =	rddreg [dreg:$0x6]  }
0x78: {  	[tilespmem:s21], [sflag:$0x1] =	stream.linear.gather [hbm4b:s12+s3], $0x80, $0x38;
	[tilespmem:$0xD780] =	vst v63  }
0x79: {  	s19 =	simm.s32 $0x8500;
	s17 =	rddreg [dreg:$0x9]  }
0x7a: {  	[tilespmem:s19], [sflag:$0x1] =	stream.linear.gather [hbm4b:s17+s3], $0x80, $0x38;
	[tilespmem:$0xD780] =	vst v63  }
0x7b: {  	s24 =	simm.s32 $0x8600;
	s22 =	rddreg [dreg:$0xa]  }
0x7c: {  	[tilespmem:s24], [sflag:$0x1] =	stream.linear.gather [hbm4b:s22+s3], $0x80, $0x38;
	[tilespmem:$0xD780] =	vst v63  }
0x7d: {  	_ =	swait.ge [sflag:s26], $0x200  }
0x7e: {  	[sflag:s26] =	ssyncset.done $0x0  }
0x7f: {  	[sflag:s26] =	ssyncadd.s32 $0xFFFFFE00  }
0x80: {  	_ =	swait.ge [sflag:s26], $0x180  }
0x81: {  	[sflag:s26] =	ssyncset.done $0x0  }
0x82: {  	[sflag:s26] =	ssyncadd.s32 $0xFFFFFE80  }
0x83: {  	[tilespmem:s29], [sflag:$0x2] =	stream.indirect.gather [hbm4b:s0+s28], $0x80, s3, s28, $0xb8;
	[tilespmem:$0xD780] =	vst v63  }
0x84: {  	s11 =	simm.s32 $0x80;
	s12 =	simm.s32 $0x1400  }
0x85: {  	[tilespmem:s12], [sflag:$0x2] =	stream.indirect.gather [hbm4b:s0+s28], $0x80, s11, s28, $0xb8;
	[tilespmem:$0xD780] =	vst v63  }
0x86: {  	s17 =	simm.s32 $0x100;
	s19 =	simm.s32 $0x2400  }
0x87: {  	[tilespmem:s19], [sflag:$0x2] =	stream.indirect.gather [hbm4b:s0+s28], $0x80, s17, s28, $0xb8;
	[tilespmem:$0xD780] =	vst v63  }
0x88: {  	s22 =	simm.s32 $0x180;
	s24 =	simm.s32 $0x3400  }
0x89: {  	[tilespmem:s24], [sflag:$0x2] =	stream.indirect.gather [hbm4b:s0+s28], $0x80, s22, s28, $0xb8;
	[tilespmem:$0xD780] =	vst v63  }
0x8a: {  	s10 =	rddreg [dreg:$0x7];
	s11 =	simm.s32 $0x200  }
0x8b: {  	[tilespmem:s11], [sflag:$0x1] =	stream.linear.gather [hbm4b:s10+s3], $0x200, $0x38;
	[tilespmem:$0xD780] =	vst v63  }
0x8c: {  	s12 =	simm.s32 $0x8480  }
0x8d: {  	[tilespmem:s12], [sflag:$0x1] =	stream.linear.gather [hbm4b:s13+s3], $0x80, $0x38;
	[tilespmem:$0xD780] =	vst v63  }
.Ltmp2:
0x8e: {  	_ = 	snop;
	(pc) =	sbr.rel .LBB2_2-.Ltmp2, $4  }
0x8f: {  	p0 =	por $0x0, $0x0;
	s17 =	sadd.s32 $0x80, s13;
	s19 =	simm.s32 $0x8580  }
0x90: {  	[tilespmem:s19], [sflag:$0x1] =	stream.linear.gather [hbm4b:s17+s3], $0x80, $0x38;
	[tilespmem:$0xD780] =	vst v63  }
0x91: {  	s4 =	simm.s32 $0x0;
	s22 =	sadd.s32 $0x100, s13;
	s24 =	simm.s32 $0x8680  }
0x92: {  	[tilespmem:s24], [sflag:$0x1] =	stream.linear.gather [hbm4b:s22+s3], $0x80, $0x38;
	[tilespmem:$0xD780] =	vst v63  }
.LBB2_6:
0x93: {  	p1 =	sne.s32 s10, $0x9D  }
.Ltmp3:
0x94: {  	_ = 	snop;
	(pc) =	sbr.rel @!p1 .LBB2_7-.Ltmp3, $2  }
0x95: {  	_ =	sdelay $0x2  }
0x96: {  	p0 =	por !p0, !p0;
	s4 =	smov.u32 s10  }
.LBB2_2:
0x97: {  	s10 =	sshll.u32 s4, $0x5  }
0x98: {  	s12 =	sor.u32 s8, s10  }
0x99: {  	p1 =	sgt.u32 s12, $0x1387  }
.Ltmp4:
0x9a: {  	_ = 	snop;
	(pc) =	sbr.rel @p1 .LBB2_6-.Ltmp4, $2  }
0x9b: {  	_ =	sdelay $0x2  }
0x9c: {  	s10 =	sadd.s32 $0x1, s4  }
0x9d: {  	_ =	swait.ge [sflag:s5], $0x1000  }
0x9e: {  	[sflag:s5] =	ssyncset.done $0x0  }
0x9f: {  	[sflag:s5] =	ssyncadd.s32 $0xFFFFF000  }
0xa0: {  	_ =	swait.ge [sflag:s5], $0x1000  }
0xa1: {  	[sflag:s5] =	ssyncset.done $0x0  }
0xa2: {  	[sflag:s5] =	ssyncadd.s32 $0xFFFFF000  }
0xa3: {  	_ =	swait.ge [sflag:s5], $0x1000  }
0xa4: {  	[sflag:s5] =	ssyncset.done $0x0  }
0xa5: {  	[sflag:s5] =	ssyncadd.s32 $0xFFFFF000  }
0xa6: {  	_ =	swait.ge [sflag:s5], $0x1000  }
0xa7: {  	p1 =	sgt.u32 s12, $0x1367;
	[sflag:s5] =	ssyncset.done $0x0  }
0xa8: {  	s11 =	simm.s32 @!p1 $0x1;
	[sflag:s5] =	ssyncadd.s32 $0xFFFFF000  }
0xa9: {  	_ =	swait.ge @!p1 [sflag:s11], $0x200  }
0xaa: {  	[sflag:s11] =	ssyncset.done @!p1 $0x0  }
0xab: {  	[sflag:s11] =	ssyncadd.s32 @!p1 $0xFFFFFE00  }
0xac: {  	_ =	swait.ge @!p1 [sflag:s11], $0x180  }
0xad: {  	s17 =	sand.u32 $0x1, s10;
	[sflag:s11] =	ssyncset.done @!p1 $0x0  }
0xae: {  	[sflag:s11] =	ssyncadd.s32 @!p1 $0xFFFFFE80;
	s11 =	sshll.u32 @!p1 s17, $0xE  }
0xaf: {  	s22 =	simm.s32 @!p1 $0x20;
	s17 =	sshll.u32 @!p1 s17, $0x9;
	s19 =	sor.u32 @!p1 $0x400, s11  }
0xb0: {  	[tilespmem:s19], [sflag:$0x2] =	stream.indirect.gather @!p1 [hbm4b:s0+s22], $0x80, s17, s22, $0xb8;
	[tilespmem:$0xD780] =	vst v63  }
0xb1: {  	s24 =	sor.u32 @!p1 $0x80, s17;
	s19 =	sor.u32 @!p1 $0x1400, s11  }
0xb2: {  	[tilespmem:s19], [sflag:$0x2] =	stream.indirect.gather @!p1 [hbm4b:s0+s22], $0x80, s24, s22, $0xb8;
	[tilespmem:$0xD780] =	vst v63  }
0xb3: {  	s19 =	sor.u32 @!p1 $0x2400, s11;
	s24 =	sor.u32 @!p1 $0x100, s17  }
0xb4: {  	[tilespmem:s19], [sflag:$0x2] =	stream.indirect.gather @!p1 [hbm4b:s0+s22], $0x80, s24, s22, $0xb8;
	[tilespmem:$0xD780] =	vst v63  }
0xb5: {  	s11 =	sor.u32 @!p1 $0x3400, s11;
	s17 =	sor.u32 @!p1 $0x180, s17  }
0xb6: {  	[tilespmem:s11], [sflag:$0x2] =	stream.indirect.gather @!p1 [hbm4b:s0+s22], $0x80, s17, s22, $0xb8;
	[tilespmem:$0xD780] =	vst v63  }
0xb7: {  	p1 =	seq.s32 s4, $0x0  }
0xb8: {  	s11 =	simm.s32 @!p1 $0x3  }
0xb9: {  	_ =	swait.ge @!p1 [sflag:s11], $0x1400  }
0xba: {  	[sflag:s11] =	ssyncset.done @!p1 $0x0  }
0xbb: {  	s17 =	sand.u32 $0x1, s4;
	[sflag:s11] =	ssyncadd.s32 @!p1 $0xFFFFEC00  }
0xbc: {  	v55 =	vmov s17;
	_ =	swait.ge @!p1 [sflag:s11], $0x1400  }
0xbd: {  	v55 =	vshll.u32 v55, $0x7;
	[sflag:s11] =	ssyncset.done @!p1 $0x0  }
0xbe: {  	v55 =	vbroadcast v55, $0x0;
	[sflag:s11] =	ssyncadd.s32 @!p1 $0xFFFFEC00  }
0xbf: {  	_ =	swait.ge @!p1 [sflag:s11], $0x1400  }
0xc0: {  	v56 =	vor.u32 v19, v55;
	[sflag:s11] =	ssyncset.done @!p1 $0x0  }
0xc1: {  	[sflag:s11] =	ssyncadd.s32 @!p1 $0xFFFFEC00  }
0xc2: {  	_ =	swait.ge @!p1 [sflag:s11], $0x1400  }
0xc3: {  	[sflag:s11] =	ssyncset.done @!p1 $0x0  }
0xc4: {  	[sflag:s11] =	ssyncadd.s32 @!p1 $0xFFFFEC00  }
0xc5: {  	v56 =	vld.idx.msk [tilespmem:v56+s21+$0x0], $0xffff  }
0xc6: {  	v57 =	vor.u32 v21, v55;
	_ =	sdelay $0x3  }
0xc7: {  	[tilespmem:v20+s20+$0x0] =	vst.idx.msk $0xffff, v56  }
0xc8: {  	v56 =	vld.idx.msk [tilespmem:v57+s21+$0x0], $0xffff  }
0xc9: {  	v60 =	vor.u32 v23, v55;
	_ =	sdelay $0x3  }
0xca: {  	[tilespmem:v22+s20+$0x0] =	vst.idx.msk $0xffff, v56  }
0xcb: {  	v56 =	vld.idx.msk [tilespmem:v60+s21+$0x0], $0xffff  }
0xcc: {  	v61 =	vor.u32 v25, v55;
	_ =	sdelay $0x3  }
0xcd: {  	[tilespmem:v24+s20+$0x0] =	vst.idx.msk $0xffff, v56  }
0xce: {  	v56 =	vld.idx.msk [tilespmem:v61+s21+$0x0], $0xffff  }
0xcf: {  	v62 =	vor.u32 v27, v55;
	_ =	sdelay $0x3  }
0xd0: {  	[tilespmem:v26+s20+$0x0] =	vst.idx.msk $0xffff, v56  }
0xd1: {  	v56 =	vld.idx.msk [tilespmem:v62+s21+$0x0], $0xffff  }
0xd2: {  	v63 =	vor.u32 v29, v55;
	_ =	sdelay $0x3  }
0xd3: {  	[tilespmem:v28+s20+$0x0] =	vst.idx.msk $0xffff, v56  }
0xd4: {  	v56 =	vld.idx.msk [tilespmem:v63+s21+$0x0], $0xffff  }
0xd5: {  	v60 =	vor.u32 v31, v55;
	_ =	sdelay $0x3  }
0xd6: {  	[tilespmem:v30+s20+$0x0] =	vst.idx.msk $0xffff, v56  }
0xd7: {  	v56 =	vld.idx.msk [tilespmem:v60+s21+$0x0], $0xffff  }
0xd8: {  	v61 =	vor.u32 v33, v55;
	_ =	sdelay $0x3  }
0xd9: {  	[tilespmem:v32+s20+$0x0] =	vst.idx.msk $0xffff, v56  }
0xda: {  	v56 =	vld.idx.msk [tilespmem:v61+s21+$0x0], $0xffff  }
0xdb: {  	v62 =	vor.u32 v35, v55;
	_ =	sdelay $0x3  }
0xdc: {  	[tilespmem:v34+s20+$0x0] =	vst.idx.msk $0xffff, v56  }
0xdd: {  	v56 =	vld.idx.msk [tilespmem:v62+s21+$0x0], $0xffff  }
0xde: {  	v63 =	vor.u32 v37, v55;
	_ =	sdelay $0x3  }
0xdf: {  	[tilespmem:v36+s20+$0x0] =	vst.idx.msk $0xffff, v56  }
0xe0: {  	v56 =	vld.idx.msk [tilespmem:v63+s21+$0x0], $0xffff  }
0xe1: {  	v60 =	vor.u32 v39, v55;
	_ =	sdelay $0x3  }
0xe2: {  	[tilespmem:v38+s20+$0x0] =	vst.idx.msk $0xffff, v56  }
0xe3: {  	v56 =	vld.idx.msk [tilespmem:v60+s21+$0x0], $0xffff  }
0xe4: {  	v61 =	vor.u32 v41, v55;
	_ =	sdelay $0x3  }
0xe5: {  	[tilespmem:v40+s20+$0x0] =	vst.idx.msk $0xffff, v56  }
0xe6: {  	v56 =	vld.idx.msk [tilespmem:v61+s21+$0x0], $0xffff  }
0xe7: {  	v62 =	vor.u32 v43, v55;
	_ =	sdelay $0x3  }
0xe8: {  	[tilespmem:v42+s20+$0x0] =	vst.idx.msk $0xffff, v56  }
0xe9: {  	v56 =	vld.idx.msk [tilespmem:v62+s21+$0x0], $0xffff  }
0xea: {  	v63 =	vor.u32 v45, v55;
	_ =	sdelay $0x3  }
0xeb: {  	[tilespmem:v44+s20+$0x0] =	vst.idx.msk $0xffff, v56  }
0xec: {  	v56 =	vld.idx.msk [tilespmem:v63+s21+$0x0], $0xffff  }
0xed: {  	v60 =	vor.u32 v47, v55;
	_ =	sdelay $0x3  }
0xee: {  	[tilespmem:v46+s20+$0x0] =	vst.idx.msk $0xffff, v56  }
0xef: {  	v56 =	vld.idx.msk [tilespmem:v60+s21+$0x0], $0xffff  }
0xf0: {  	v61 =	vor.u32 v49, v55;
	_ =	sdelay $0x3  }
0xf1: {  	[tilespmem:v48+s20+$0x0] =	vst.idx.msk $0xffff, v56  }
0xf2: {  	v56 =	vld.idx.msk [tilespmem:v61+s21+$0x0], $0xffff  }
0xf3: {  	v62 =	vor.u32 v0, v55;
	_ =	sdelay $0x3  }
0xf4: {  	[tilespmem:v50+s20+$0x0] =	vst.idx.msk $0xffff, v56  }
0xf5: {  	v56 =	vld.idx.msk [tilespmem:v62+s21+$0x0], $0xff  }
0xf6: {  	v63 =	vor.u32 v1, v55;
	_ =	sdelay $0x3  }
0xf7: {  	[tilespmem:v4+s20+$0x0] =	vst.idx.msk $0xff, v56  }
0xf8: {  	v56 =	vld.idx.msk [tilespmem:v63+s21+$0x0], $0xff  }
0xf9: {  	v60 =	vor.u32 v6, v55;
	_ =	sdelay $0x3  }
0xfa: {  	[tilespmem:v5+s20+$0x0] =	vst.idx.msk $0xff, v56  }
0xfb: {  	v56 =	vld.idx.msk [tilespmem:v60+s21+$0x0], $0xff  }
0xfc: {  	v61 =	vor.u32 v8, v55;
	_ =	sdelay $0x3  }
0xfd: {  	[tilespmem:v7+s20+$0x0] =	vst.idx.msk $0xff, v56  }
0xfe: {  	v56 =	vld.idx.msk [tilespmem:v61+s21+$0x0], $0xff  }
0xff: {  	v62 =	vor.u32 v10, v55;
	_ =	sdelay $0x3  }
0x100: {  	[tilespmem:v9+s20+$0x0] =	vst.idx.msk $0xff, v56  }
0x101: {  	v56 =	vld.idx.msk [tilespmem:v62+s21+$0x0], $0xff  }
0x102: {  	v63 =	vor.u32 v12, v55;
	_ =	sdelay $0x3  }
0x103: {  	[tilespmem:v11+s20+$0x0] =	vst.idx.msk $0xff, v56  }
0x104: {  	v56 =	vld.idx.msk [tilespmem:v63+s21+$0x0], $0xff  }
0x105: {  	v60 =	vor.u32 v14, v55;
	_ =	sdelay $0x3  }
0x106: {  	[tilespmem:v13+s20+$0x0] =	vst.idx.msk $0xff, v56  }
0x107: {  	v56 =	vld.idx.msk [tilespmem:v60+s21+$0x0], $0xff  }
0x108: {  	v55 =	vor.u32 v16, v55;
	_ =	sdelay $0x3  }
0x109: {  	[tilespmem:v15+s20+$0x0] =	vst.idx.msk $0xff, v56  }
0x10a: {  	v55 =	vld.idx.msk [tilespmem:v55+s21+$0x0], $0xff;
	_ =	sdelay $0x1  }
0x10b: {  	s11 =	simm.s32 $0x1  }
0x10c: {  	s11 =	simm.s32 @!p0 $0x0  }
0x10d: {  	s11 =	sshll.u32 s11, $0xE  }
0x10e: {  	s22 =	sor.u32 $0x4C0, s11;
	[tilespmem:v17+s20+$0x0] =	vst.idx.msk $0xff, v55  }
0x10f: {  	v55 =	vld [tilespmem:s22+$0xFFFFFF40];
	_ =	sdelay $0x3  }
0x110: {  	s24 =	simm.s32 $0x9B39  }
0x111: {  	[tilespmem:s24+$0xFFFFEBD0] =	vst v55  }
0x112: {  	v55 =	vld [tilespmem:s22+$0xFFFFFF50];
	_ =	sdelay $0x4  }
0x113: {  	[tilespmem:s24+$0xFFFFEBE0] =	vst v55  }
0x114: {  	v55 =	vld [tilespmem:s22+$0xFFFFFF60];
	_ =	sdelay $0x4  }
0x115: {  	[tilespmem:s24+$0xFFFFEBF0] =	vst v55  }
0x116: {  	v55 =	vld [tilespmem:s22+$0xFFFFFF70];
	_ =	sdelay $0x4  }
0x117: {  	[tilespmem:s24+$0xFFFFEC00] =	vst v55  }
0x118: {  	v55 =	vld [tilespmem:s22+$0xFFFFFF80];
	_ =	sdelay $0x4  }
0x119: {  	[tilespmem:s24+$0xFFFFEC10] =	vst v55  }
0x11a: {  	v55 =	vld [tilespmem:s22+$0xFFFFFF90];
	_ =	sdelay $0x4  }
0x11b: {  	[tilespmem:s24+$0xFFFFEC20] =	vst v55  }
0x11c: {  	v55 =	vld [tilespmem:s22+$0xFFFFFFA0];
	_ =	sdelay $0x4  }
0x11d: {  	s19 =	simm.s32 $0x0;
	[tilespmem:s24+$0xFFFFEC30] =	vst v55  }
0x11e: {  	v61 =	vadd.s32 s19, v51;
	v55 =	vld [tilespmem:s22+$0xFFFFFFB0];
	_ =	sdelay $0x4  }
0x11f: {  	[tilespmem:v61+s20+$0x0] =	vst.idx.msk $0xffff, v55  }
0x120: {  	v55 =	vld [tilespmem:s22+$0xFFFFFFC0];
	_ =	sdelay $0x4  }
0x121: {  	[tilespmem:s24+$0xFFFFFFD0] =	vst v55  }
0x122: {  	v55 =	vld [tilespmem:s22+$0xFFFFFFD0];
	_ =	sdelay $0x4  }
0x123: {  	[tilespmem:s24+$0xFFFFFFE0] =	vst v55  }
0x124: {  	v55 =	vld [tilespmem:s22+$0xFFFFFFE0];
	_ =	sdelay $0x4  }
0x125: {  	[tilespmem:s24+$0xFFFFFFF0] =	vst v55  }
0x126: {  	v55 =	vld [tilespmem:s22+$0xFFFFFFF0];
	_ =	sdelay $0x4  }
0x127: {  	[tilespmem:s24+$0x0] =	vst v55  }
0x128: {  	v55 =	vld [tilespmem:s22+$0x0];
	_ =	sdelay $0x4  }
0x129: {  	[tilespmem:s24+$0x10] =	vst v55  }
0x12a: {  	v55 =	vld [tilespmem:s22+$0x10];
	_ =	sdelay $0x4  }
0x12b: {  	[tilespmem:s24+$0x20] =	vst v55  }
0x12c: {  	v55 =	vld [tilespmem:s22+$0x20];
	_ =	sdelay $0x4  }
0x12d: {  	[tilespmem:s24+$0x30] =	vst v55  }
0x12e: {  	v62 =	vadd.s32 s19, v52;
	v55 =	vld [tilespmem:s22+$0x30];
	_ =	sdelay $0x4  }
0x12f: {  	[tilespmem:v62+s20+$0x0] =	vst.idx.msk $0xffff, v55  }
0x130: {  	v55 =	vld [tilespmem:s22+$0x40];
	_ =	sdelay $0x4  }
0x131: {  	[tilespmem:s24+$0x13D0] =	vst v55  }
0x132: {  	v55 =	vld [tilespmem:s22+$0x50];
	_ =	sdelay $0x4  }
0x133: {  	[tilespmem:s24+$0x13E0] =	vst v55  }
0x134: {  	v55 =	vld [tilespmem:s22+$0x60];
	_ =	sdelay $0x4  }
0x135: {  	[tilespmem:s24+$0x13F0] =	vst v55  }
0x136: {  	v55 =	vld [tilespmem:s22+$0x70];
	_ =	sdelay $0x4  }
0x137: {  	[tilespmem:s24+$0x1400] =	vst v55  }
0x138: {  	v55 =	vld [tilespmem:s22+$0x80];
	_ =	sdelay $0x4  }
0x139: {  	[tilespmem:s24+$0x1410] =	vst v55  }
0x13a: {  	v55 =	vld [tilespmem:s22+$0x90];
	_ =	sdelay $0x4  }
0x13b: {  	[tilespmem:s24+$0x1420] =	vst v55  }
0x13c: {  	v55 =	vld [tilespmem:s22+$0xA0];
	_ =	sdelay $0x4  }
0x13d: {  	[tilespmem:s24+$0x1430] =	vst v55  }
0x13e: {  	v63 =	vadd.s32 s19, v53;
	v55 =	vld [tilespmem:s22+$0xB0]  }
0x13f: {  	v56 =	vadd.s32 s19, v54;
	_ =	sdelay $0x3  }
0x140: {  	s11 =	simm.s32 $0x1;
	[tilespmem:v63+s20+$0x0] =	vst.idx.msk $0x7f, v55  }
.LBB2_4:
0x141: {  	p1 =	sne.s32 s11, $0x27;
	[tilespmem:v56+s18+$0x0] =	vst.idx.msk vm0, v55;
	s24 =	sadd.s32 $0x80, s24;
	s22 =	sadd.s32 $0x180, s22  }
0x142: {  	s19 =	smov.u32 s11;
	s11 =	sadd.s32 $0x1, s11;
	v55 =	vld [tilespmem:s22+$0xFFFFFF40];
	_ =	sdelay $0x4  }
0x143: {  	[tilespmem:s24+$0xFFFFEBD0] =	vst v55  }
0x144: {  	v55 =	vld [tilespmem:s22+$0xFFFFFF50];
	_ =	sdelay $0x4  }
0x145: {  	[tilespmem:s24+$0xFFFFEBE0] =	vst v55  }
0x146: {  	v55 =	vld [tilespmem:s22+$0xFFFFFF60];
	_ =	sdelay $0x4  }
0x147: {  	[tilespmem:s24+$0xFFFFEBF0] =	vst v55  }
0x148: {  	v55 =	vld [tilespmem:s22+$0xFFFFFF70];
	_ =	sdelay $0x4  }
0x149: {  	[tilespmem:s24+$0xFFFFEC00] =	vst v55  }
0x14a: {  	v55 =	vld [tilespmem:s22+$0xFFFFFF80];
	_ =	sdelay $0x4  }
0x14b: {  	[tilespmem:s24+$0xFFFFEC10] =	vst v55  }
0x14c: {  	v55 =	vld [tilespmem:s22+$0xFFFFFF90];
	_ =	sdelay $0x4  }
0x14d: {  	[tilespmem:s24+$0xFFFFEC20] =	vst v55  }
0x14e: {  	v55 =	vld [tilespmem:s22+$0xFFFFFFA0];
	_ =	sdelay $0x4  }
0x14f: {  	s19 =	sshll.u32 s19, $0x7;
	[tilespmem:s24+$0xFFFFEC30] =	vst v55  }
0x150: {  	v56 =	vadd.s32 s19, v51;
	v55 =	vld [tilespmem:s22+$0xFFFFFFB0];
	_ =	sdelay $0x4  }
0x151: {  	[tilespmem:v56+s20+$0x0] =	vst.idx.msk $0xffff, v55  }
0x152: {  	v55 =	vld [tilespmem:s22+$0xFFFFFFC0];
	_ =	sdelay $0x4  }
0x153: {  	[tilespmem:s24+$0xFFFFFFD0] =	vst v55  }
0x154: {  	v55 =	vld [tilespmem:s22+$0xFFFFFFD0];
	_ =	sdelay $0x4  }
0x155: {  	[tilespmem:s24+$0xFFFFFFE0] =	vst v55  }
0x156: {  	v55 =	vld [tilespmem:s22+$0xFFFFFFE0];
	_ =	sdelay $0x4  }
0x157: {  	[tilespmem:s24+$0xFFFFFFF0] =	vst v55  }
0x158: {  	v55 =	vld [tilespmem:s22+$0xFFFFFFF0];
	_ =	sdelay $0x4  }
0x159: {  	[tilespmem:s24+$0x0] =	vst v55  }
0x15a: {  	v55 =	vld [tilespmem:s22+$0x0];
	_ =	sdelay $0x4  }
0x15b: {  	[tilespmem:s24+$0x10] =	vst v55  }
0x15c: {  	v55 =	vld [tilespmem:s22+$0x10];
	_ =	sdelay $0x4  }
0x15d: {  	[tilespmem:s24+$0x20] =	vst v55  }
0x15e: {  	v55 =	vld [tilespmem:s22+$0x20];
	_ =	sdelay $0x4  }
0x15f: {  	[tilespmem:s24+$0x30] =	vst v55  }
0x160: {  	v56 =	vadd.s32 s19, v52;
	v55 =	vld [tilespmem:s22+$0x30];
	_ =	sdelay $0x4  }
0x161: {  	[tilespmem:v56+s20+$0x0] =	vst.idx.msk $0xffff, v55  }
0x162: {  	v55 =	vld [tilespmem:s22+$0x40];
	_ =	sdelay $0x4  }
0x163: {  	[tilespmem:s24+$0x13D0] =	vst v55  }
0x164: {  	v55 =	vld [tilespmem:s22+$0x50];
	_ =	sdelay $0x4  }
0x165: {  	[tilespmem:s24+$0x13E0] =	vst v55  }
0x166: {  	v55 =	vld [tilespmem:s22+$0x60];
	_ =	sdelay $0x4  }
0x167: {  	[tilespmem:s24+$0x13F0] =	vst v55  }
0x168: {  	v55 =	vld [tilespmem:s22+$0x70];
	_ =	sdelay $0x4  }
0x169: {  	[tilespmem:s24+$0x1400] =	vst v55  }
0x16a: {  	v55 =	vld [tilespmem:s22+$0x80];
	_ =	sdelay $0x4  }
0x16b: {  	[tilespmem:s24+$0x1410] =	vst v55  }
0x16c: {  	v55 =	vld [tilespmem:s22+$0x90];
	_ =	sdelay $0x4  }
0x16d: {  	[tilespmem:s24+$0x1420] =	vst v55  }
0x16e: {  	v55 =	vld [tilespmem:s22+$0xA0];
	_ =	sdelay $0x4  }
0x16f: {  	[tilespmem:s24+$0x1430] =	vst v55  }
0x170: {  	v57 =	vadd.s32 s19, v53;
	v55 =	vld [tilespmem:s22+$0xB0]  }
.Ltmp5:
0x171: {  	v56 =	vadd.s32 s19, v54;
	(pc) =	sbr.rel @p1 .LBB2_4-.Ltmp5, $2  }
0x172: {  	_ =	sdelay $0x2  }
0x173: {  	[tilespmem:v57+s20+$0x0] =	vst.idx.msk $0x7f, v55  }
0x174: {  	_ =	sdelay $0x2  }
0x175: {  	s11 =	smul.u32 $0xA00, s12;
	_ =	sdelay $0x1  }
0x176: {  	[tilespmem:v56+s18+$0x0] =	vst.idx.msk vm0, v55;
	s19 =	sadd.s32 s7, s11  }
0x177: {  	[hbm4b:s19+s29] =	stream.strided.scatter [tilespmem:s20], [sflag:$0x3], $0x1400, s23, s29, $0x38;
	[tilespmem:$0xD780] =	vst v63  }
0x178: {  	s22 =	sadd.s32 s11, s14  }
0x179: {  	[hbm4b:s22+s29] =	stream.strided.scatter [tilespmem:s25], [sflag:$0x3], $0x1400, s23, s29, $0x38;
	[tilespmem:$0xD780] =	vst v63  }
0x17a: {  	s24 =	sadd.s32 s11, s15  }
0x17b: {  	[hbm4b:s24+s29] =	stream.strided.scatter [tilespmem:s30], [sflag:$0x3], $0x1400, s23, s29, $0x38;
	[tilespmem:$0xD780] =	vst v63  }
0x17c: {  	p1 =	sgt.u32 s12, $0x1347;
	s11 =	sadd.s32 s11, s16  }
0x17d: {  	[hbm4b:s11+s29] =	stream.strided.scatter [tilespmem:s18], [sflag:$0x3], $0x1400, s23, s29, $0x38;
	[tilespmem:$0xD780] =	vst v63  }
0x17e: {  	s11 =	sadd.s32 @!p1 $0x40, s12  }
0x17f: {  	s12 =	sshll.u32 @!p1 s17, $0x9;
	s17 =	sshll.u32 @!p1 s11, $0x6;
	s11 =	sshrl.u32 @!p1 s11, $0x3  }
0x180: {  	s19 =	simm.s32 @!p1 $0x0;
	s17 =	sadd.s32 @!p1 s2, s17;
	s11 =	smul.u32 @!p1 $0xC00, s11  }
0x181: {  	[tilespmem:s12], [sflag:$0x1] =	stream.linear.gather @!p1 [hbm4b:s17+s19], $0x200, $0x38;
	[tilespmem:$0xD780] =	vst v63  }
0x182: {  	s4 =	sshll.u32 @!p1 s4, $0x7;
	s11 =	sor.u32 @!p1 s9, s11  }
0x183: {  	s4 =	sand.u32 @!p1 $0x80, s4;
	s11 =	sshrl.u32 @!p1 s11, $0x3  }
0x184: {  	s12 =	sor.u32 @!p1 $0x8400, s4;
	s11 =	sadd.s32 @!p1 s6, s11  }
0x185: {  	[tilespmem:s12], [sflag:$0x1] =	stream.linear.gather @!p1 [hbm4b:s11+s19], $0x80, $0x38;
	[tilespmem:$0xD780] =	vst v63  }
.Ltmp6:
0x186: {  	_ = 	snop;
	(pc) =	sbr.rel .LBB2_6-.Ltmp6, $4  }
0x187: {  	s17 =	sor.u32 @!p1 $0x8500, s4;
	s12 =	sadd.s32 @!p1 $0x80, s11  }
0x188: {  	[tilespmem:s17], [sflag:$0x1] =	stream.linear.gather @!p1 [hbm4b:s12+s19], $0x80, $0x38;
	[tilespmem:$0xD780] =	vst v63  }
0x189: {  	s4 =	sor.u32 @!p1 $0x8600, s4;
	s11 =	sadd.s32 @!p1 $0x100, s11  }
0x18a: {  	[tilespmem:s4], [sflag:$0x1] =	stream.linear.gather @!p1 [hbm4b:s11+s19], $0x80, $0x38;
	[tilespmem:$0xD780] =	vst v63  }
.LBB2_8:
0x18b: {  	_ =	sfence.sel $0x180000  }
0x18c: {  	[bflag:$0x0] =	sbarrier.arrive $0xFFFF  }
0x18d: {  	_ =	strace $0x90000047  }
0x18e: {  	s0 =	stileid.u32;
	[bflag:$0x2] =	sbarrier.arrive $0xFFFF  }
0x18f: {  	p0 =	sne.s32 s0, $0x0;
	s0 =	rddreg [dreg:$0x3]  }
0x190: {  	s0 =	sadd.s32 @!p0 $0x100000, s0  }
0x191: {  	[sflag:s0] =	ssyncadd.tile.s32 @!p0 $0x1;
	_ =	shalt  }
.Lfunc_end2:
_tile_overlayer_lowered:
.L_overlay_start_2:
0x192: {  	(tag) =	ssettag $0x2  }
0x193: {  	s0 =	rddreg [dreg:$0x0];
	s2 =	stileid.u32  }
0x194: {  	s1 =	rddreg [dreg:$0x1];
	p0 =	sne.s32 s2, $0x0  }
0x195: {  	s3 =	rddreg [dreg:$0x2];
	[bflag:$0x3] =	sbarrier.arrive $0xFFFF;
	s2 =	simm.s32 @!p0 $0x1C04  }
0x196: {  	[timem:s3], [sflag:s2] =	dma.local @!p0 [hbm:s0], s1  }
0x197: {  	s0 =	simm.s32 @!p0 $0x4  }
0x198: {  	_ =	swait.ge @!p0 [sflag:s0], s1  }
0x199: {  	s1 =	ssub.s32 @!p0 $0x0, s1;
	[sflag:s0] =	ssyncset.done @!p0 $0x0  }
0x19a: {  	[sflag:s0] =	ssyncadd.s32 @!p0 s1  }
0x19b: {  	[bflag:$0x3] =	sbarrier.arrive $0xFFFF  }
0x19c: {  	_ =	shalt  }

</sc_bundles>
